<compile_context>
chip_gen: v7x
topology: tpu7x:2x2x1
jax: 0.10.2.dev20260603
libtpu: 0.0.44.dev20260713+nightly
codegen_flags: <defaults>
</compile_context>

<pallas_src>
import functools

import jax
import jax.numpy as jnp
from jax import lax
from jax.experimental import pallas as pl
from jax.experimental.pallas import tpu as pltpu
from jax.experimental.pallas import tpu_sc as plsc



def _finish_body(p_ref, g_ref, wt_ref, b_ref, o_ref):
    br, d = p_ref.shape[1], p_ref.shape[2]
    sub = br // 128
    s = p_ref[0] + p_ref[1]
    mm = jnp.dot(s, wt_ref[...], preferred_element_type=jnp.float32)
    dg = g_ref[0] + g_ref[1]
    z = mm.reshape(sub, 128, d) + dg[:, :, None] * b_ref[...].reshape(1, 1, d)
    o_ref[...] = jnp.tanh(z.reshape(br, d))


def _finish(partials, degp, wt, b2, n, block_rows):
    d = partials.shape[2]
    n_pad = partials.shape[1]
    n_blocks = n_pad // block_rows
    sub = block_rows // 128
    degp3 = degp.reshape(2, n_pad // 128, 128)
    return pl.pallas_call(
        _finish_body,
        grid=(n_blocks,),
        in_specs=[
            pl.BlockSpec((2, block_rows, d), lambda i: (0, i, 0)),
            pl.BlockSpec((2, sub, 128), lambda i: (0, i, 0)),
            pl.BlockSpec((d, d), lambda i: (0, 0)),
            pl.BlockSpec((1, d), lambda i: (0, 0)),
        ],
        out_specs=pl.BlockSpec((block_rows, d), lambda i: (i, 0)),
        out_shape=jax.ShapeDtypeStruct((n, d), jnp.float32),
    )(partials, degp3, wt, b2)



def _make_sc_aggregate(
    n_pad, d, n_passes, cpp, chunk, n_real, nbuf, num_cores, num_subcores
):
    n_chunks = n_real
    rows_per_sub = n_pad // num_subcores
    zrows = 8
    assert rows_per_sub % zrows == 0 and rows_per_sub % 8 == 0
    assert n_chunks >= nbuf and cpp >= 3 and chunk % 16 == 0
    mesh = plsc.VectorSubcoreMesh(core_axis_name="c", subcore_axis_name="s")

    @functools.partial(
        pl.kernel,
        out_type=(
            jax.ShapeDtypeStruct((num_cores, n_pad, d), jnp.float32),
            jax.ShapeDtypeStruct((num_cores, n_pad), jnp.float32),
        ),
        mesh=mesh,
        scratch_types=[
            pltpu.VMEM((2, cpp, chunk), jnp.int32),
            pltpu.VMEM((2, cpp, chunk), jnp.int32),
            pltpu.VMEM((nbuf, chunk, d), jnp.float32),
            pltpu.VMEM((zrows, d), jnp.float32),
            pltpu.VMEM((rows_per_sub,), jnp.float32),
            pltpu.VMEM((chunk,), jnp.float32),
            pltpu.VMEM_SHARED((n_pad, d), jnp.float32),
            pltpu.VMEM_SHARED((n_pad,), jnp.float32),
            pltpu.SemaphoreType.DMA,
            pltpu.SemaphoreType.DMA,
            pltpu.SemaphoreType.DMA,
            pltpu.SemaphoreType.DMA,
        ],
    )
    def sc_agg(
        edges_hbm, x_hbm, out_hbm, deg_hbm,
        colv, rowv, gbuf, zbuf, zdeg, ones, acc, deg,
        gsem, ssem, isem, dsem,
    ):
        cid = lax.axis_index("c")
        sid = lax.axis_index("s")
        wid = sid * num_cores + cid
        col_hbm = edges_hbm.at[1]
        row_hbm = edges_hbm.at[0]
        pltpu.sync_copy(col_hbm.at[wid, pl.ds(0, cpp)], colv.at[0])
        pltpu.sync_copy(row_hbm.at[wid, pl.ds(0, cpp)], rowv.at[0])

        for t in range(nbuf - 1):
            pltpu.async_copy(x_hbm.at[colv.at[0, t]], gbuf.at[t], gsem)

        for i in range(chunk // 16):
            ones[pl.ds(i * 16, 16)] = jnp.ones((16,), jnp.float32)

        lanes = d // 16

        def zbody(i, carry):
            zbuf[i // lanes, pl.ds((i % lanes) * 16, 16)] = jnp.zeros(
                (16,), jnp.float32
            )
            return carry

        lax.fori_loop(0, zrows * lanes, zbody, 0)

        def zdbody(i, carry):
            zdeg[pl.ds(i * 16, 16)] = jnp.zeros((16,), jnp.float32)
            return carry

        lax.fori_loop(0, rows_per_sub // 16, zdbody, 0)

        def zcopy(t, carry):
            pltpu.async_copy(
                zbuf, acc.at[pl.ds(sid * rows_per_sub + t * zrows, zrows)], isem
            )
            return carry

        lax.fori_loop(0, rows_per_sub // zrows, zcopy, 0)
        pltpu.sync_copy(zdeg, deg.at[pl.ds(sid * rows_per_sub, rows_per_sub)])

        def zdrain(t, carry):
            pltpu.make_async_copy(
                zbuf, acc.at[pl.ds(sid * rows_per_sub, zrows)], isem
            ).wait()
            return carry

        lax.fori_loop(0, rows_per_sub // zrows, zdrain, 0)

        plsc.subcore_barrier()

        def body(j, carry):
            p = j // cpp
            r = lax.rem(j, cpp)
            sl = lax.rem(p, 2)
            b = lax.rem(j, nbuf)

            pltpu.make_async_copy(
                x_hbm.at[colv.at[0, 0]], gbuf.at[b], gsem
            ).wait()

            pltpu.async_copy(gbuf.at[b], acc.at[rowv.at[sl, r]], ssem, add=True)
            pltpu.async_copy(ones, deg.at[rowv.at[sl, r]], dsem, add=True)

            @pl.when(j >= 1)
            def _():
                pltpu.make_async_copy(
                    gbuf.at[0], acc.at[rowv.at[0, 0]], ssem
                ).wait()

            @pl.when(jnp.logical_and(r == 0, p + 1 < n_passes))
            def _():
                pltpu.async_copy(
                    col_hbm.at[wid, pl.ds((p + 1) * cpp, cpp)],
                    colv.at[1 - sl],
                    isem,
                )
                pltpu.async_copy(
                    row_hbm.at[wid, pl.ds((p + 1) * cpp, cpp)],
                    rowv.at[1 - sl],
                    isem,
                )

            nxt = j + nbuf - 1

            @pl.when(nxt < n_chunks)
            def _():
                nr = lax.rem(nxt, cpp)
                nsl = lax.rem(nxt // cpp, 2)

                @pl.when(nr == 0)
                def _():
                    pltpu.make_async_copy(
                        col_hbm.at[wid, pl.ds(0, cpp)], colv.at[0], isem
                    ).wait()
                    pltpu.make_async_copy(
                        row_hbm.at[wid, pl.ds(0, cpp)], rowv.at[0], isem
                    ).wait()

                pltpu.async_copy(
                    x_hbm.at[colv.at[nsl, nr]],
                    gbuf.at[lax.rem(nxt, nbuf)],
                    gsem,
                )

            return carry

        lax.fori_loop(0, n_chunks, body, 0)
        pltpu.make_async_copy(gbuf.at[0], acc.at[rowv.at[0, 0]], ssem).wait()

        def ddrain(j, carry):
            pltpu.make_async_copy(ones, deg.at[rowv.at[0, 0]], dsem).wait()
            return carry

        lax.fori_loop(0, n_chunks, ddrain, 0)

        plsc.subcore_barrier()

        sl = pl.ds(sid * rows_per_sub, rows_per_sub)
        pltpu.async_copy(acc.at[sl], out_hbm.at[cid, sl], gsem)
        pltpu.sync_copy(deg.at[sl], deg_hbm.at[cid, sl])
        pltpu.make_async_copy(acc.at[sl], out_hbm.at[cid, sl], gsem).wait()

    return sc_agg



def kernel(x, edge_index, W, b):
    n, d_in = x.shape
    d_out = W.shape[0]
    e = edge_index.shape[1]

    info = plsc.get_sparse_core_info()
    nc, ns = info.num_cores, info.num_subcores
    nw = nc * ns
    n_pad = ((n + 511) // 512) * 512

    chunk = 80
    cpp = 8
    nbuf = 3
    epw = e // nw
    n_real = epw // chunk
    n_chunks = -(-n_real // cpp) * cpp
    n_passes = n_chunks // cpp
    assert n_real * chunk == epw and epw * nw == e

    edges = edge_index.reshape(2, nw, n_real, chunk)
    if n_chunks != n_real:
        edges = jax.lax.dynamic_update_slice(
            jnp.zeros((2, nw, n_chunks, chunk), jnp.int32), edges, (0, 0, 0, 0)
        )

    sc_agg = _make_sc_aggregate(
        n_pad, d_in, n_passes, cpp, chunk, n_real, nbuf, nc, ns
    )
    partials, degp = sc_agg(edges, x)

    return _finish(partials, degp, W.T, b.reshape(1, d_out), n, 2048)

# --- scband reference (transcript-rebuilt; emitter-appended) ---
"""Pipeline reference for scband-gcnconv-ss-hh-90555090468954 (READ-ONLY COPY).

The authoritative reference and input builder live on the scoring server;
editing this copy changes nothing except your own understanding.
"""

import jax, jax.numpy as jnp
import numpy as np

N_NODES = 10000
N_EDGES = 320000
D_IN = 128
D_OUT = 128


def setup_inputs(seed: int = 0) -> dict:
    key = jax.random.key(seed)
    k1, k2, k3, k4 = jax.random.split(key, 4)
    x = jax.random.normal(k1, (N_NODES, D_IN), dtype=jnp.float32)
    edge_index = jax.random.randint(k2, (2, N_EDGES), 0, N_NODES, dtype=jnp.int32)
    # nn.Linear(in_channels, out_channels): W [out, in], b [out]
    bound = 1.0 / np.sqrt(D_IN)
    W = jax.random.uniform(k3, (D_OUT, D_IN), dtype=jnp.float32, minval=-bound, maxval=bound)
    b = jax.random.uniform(k4, (D_OUT,), dtype=jnp.float32, minval=-bound, maxval=bound)
    return {"x": x, "edge_index": edge_index, "W": W, "b": b}


def reference(x, edge_index, W, b):
    # x_transformed = self.lin(x)
    xw = x @ W.T + b
    row = edge_index[0]
    col = edge_index[1]
    # torch.sparse.mm(adj, x_transformed) with adj[row, col] = 1:
    # out[i] = sum_{e: row[e]==i} xw[col[e]]
    gathered = jnp.take(xw, col, axis=0)
    out = jax.ops.segment_sum(gathered, row, num_segments=N_NODES)
    return jnp.tanh(out)

if __name__ == "__main__":
    import jax
    _d = setup_inputs()
    print(jax.jit(kernel)(*tuple(_d.values())))

</pallas_src>

<mosaic_0001>
#map = affine_map<(d0, d1) -> (0, 0, 0, 0)>
#map1 = affine_map<(d0, d1) -> (0, 0)>
#map2 = affine_map<(d0, d1) -> (0, 0, 0)>
module attributes {stable_mosaic.version = 14 : i64} {
  func.func @sc_agg(%arg0: i32, %arg1: i32, %arg2: memref<2x32x128x80xi32, #tpu.memory_space<hbm>>, %arg3: memref<10000x128xf32, #tpu.memory_space<hbm>>, %arg4: memref<2x10240x128xf32, #tpu.memory_space<hbm>>, %arg5: memref<2x10240xf32, #tpu.memory_space<hbm>>, %arg6: memref<2x8x80xi32, #tpu.memory_space<vmem>>, %arg7: memref<2x8x80xi32, #tpu.memory_space<vmem>>, %arg8: memref<3x80x128xf32, #tpu.memory_space<vmem>>, %arg9: memref<8x128xf32, #tpu.memory_space<vmem>>, %arg10: memref<640xf32, #tpu.memory_space<vmem>>, %arg11: memref<80xf32, #tpu.memory_space<vmem>>, %arg12: memref<10240x128xf32, #tpu.memory_space<vmem_shared>>, %arg13: memref<10240xf32, #tpu.memory_space<vmem_shared>>, %arg14: memref<!tpu.dma_semaphore, #tpu.memory_space<semaphore_mem>>, %arg15: memref<!tpu.dma_semaphore, #tpu.memory_space<semaphore_mem>>, %arg16: memref<!tpu.dma_semaphore, #tpu.memory_space<semaphore_mem>>, %arg17: memref<!tpu.dma_semaphore, #tpu.memory_space<semaphore_mem>>) attributes {dimension_semantics = [#tpu.dimension_semantics<core_parallel>, #tpu.dimension_semantics<subcore_parallel>], iteration_bounds = array<i64: 2, 16>, scalar_prefetch = 0 : i64, scratch_operands = 12 : i64, tpu.core_type = #tpu.core_type<sc_vector_subcore>, window_params = [{transform_indices = #map}, {transform_indices = #map1}, {transform_indices = #map2}, {transform_indices = #map1}]} {
    %mul3A = arith.constant 2 : i32
    %mul3A_0 = arith.muli %arg1, %mul3A : i32
    %add3A = arith.addi %mul3A_0, %arg0 : i32
    %run_scoped3A = arith.constant 1 : i32
    %run_scoped3A_1 = arith.constant 0 : i32
    "tpu.region"() ({
      %run_scoped3A_121 = tpu.sem_alloc : memref<!tpu.dma_semaphore, #tpu.memory_space<semaphore_mem>>
      %dma_start3A_122 = arith.constant 0 : i32
      %dma_start3A_123 = arith.constant 0 : i32
      %dma_start3A_124 = tpu.memref_slice %arg6[%run_scoped3A_1, %dma_start3A_122, %dma_start3A_123] : memref<2x8x80xi32, #tpu.memory_space<vmem>> -> memref<1x8x80xi32, #tpu.memory_space<vmem>>
      %dma_start3A_125 = tpu.memref_squeeze %dma_start3A_124 : memref<1x8x80xi32, #tpu.memory_space<vmem>> -> memref<8x80xi32, #tpu.memory_space<vmem>>
      %dma_start3A_126 = arith.constant 0 : i32
      %dma_start3A_127 = arith.constant 0 : i32
      %dma_start3A_128 = arith.constant 0 : i32
      %dma_start3A_129 = tpu.memref_slice %arg2[%run_scoped3A, %dma_start3A_126, %dma_start3A_127, %dma_start3A_128] : memref<2x32x128x80xi32, #tpu.memory_space<hbm>> -> memref<1x32x128x80xi32, #tpu.memory_space<hbm>>
      %dma_start3A_130 = tpu.memref_squeeze %dma_start3A_129 : memref<1x32x128x80xi32, #tpu.memory_space<hbm>> -> memref<32x128x80xi32, #tpu.memory_space<hbm>>
      %dma_start3A_131 = arith.constant 0 : i32
      %dma_start3A_132 = arith.constant 0 : i32
      %dma_start3A_133 = tpu.memref_slice %dma_start3A_130[%add3A, %dma_start3A_131, %dma_start3A_132] : memref<32x128x80xi32, #tpu.memory_space<hbm>> -> memref<1x8x80xi32, #tpu.memory_space<hbm>>
      %dma_start3A_134 = tpu.memref_squeeze %dma_start3A_133 : memref<1x8x80xi32, #tpu.memory_space<hbm>> -> memref<8x80xi32, #tpu.memory_space<hbm>>
      %dma_start3A_135 = arith.constant 0 : i32
      %dma_start3A_136 = arith.constant 0 : i32
      %dma_start3A_137 = tpu.memref_slice %arg6[%run_scoped3A_1, %dma_start3A_135, %dma_start3A_136] : memref<2x8x80xi32, #tpu.memory_space<vmem>> -> memref<1x8x80xi32, #tpu.memory_space<vmem>>
      %dma_start3A_138 = tpu.memref_squeeze %dma_start3A_137 : memref<1x8x80xi32, #tpu.memory_space<vmem>> -> memref<8x80xi32, #tpu.memory_space<vmem>>
      %dma_start3A_139 = arith.constant 0 : i32
      %dma_start3A_140 = arith.constant 0 : i32
      %dma_start3A_141 = arith.constant 0 : i32
      %dma_start3A_142 = tpu.memref_slice %arg2[%run_scoped3A, %dma_start3A_139, %dma_start3A_140, %dma_start3A_141] : memref<2x32x128x80xi32, #tpu.memory_space<hbm>> -> memref<1x32x128x80xi32, #tpu.memory_space<hbm>>
      %dma_start3A_143 = tpu.memref_squeeze %dma_start3A_142 : memref<1x32x128x80xi32, #tpu.memory_space<hbm>> -> memref<32x128x80xi32, #tpu.memory_space<hbm>>
      %dma_start3A_144 = arith.constant 0 : i32
      %dma_start3A_145 = arith.constant 0 : i32
      %dma_start3A_146 = tpu.memref_slice %dma_start3A_143[%add3A, %dma_start3A_144, %dma_start3A_145] : memref<32x128x80xi32, #tpu.memory_space<hbm>> -> memref<1x8x80xi32, #tpu.memory_space<hbm>>
      %dma_start3A_147 = tpu.memref_squeeze %dma_start3A_146 : memref<1x8x80xi32, #tpu.memory_space<hbm>> -> memref<8x80xi32, #tpu.memory_space<hbm>>
      tpu.enqueue_dma source(%dma_start3A_147 : memref<8x80xi32, #tpu.memory_space<hbm>>) target(%dma_start3A_138 : memref<8x80xi32, #tpu.memory_space<vmem>>) target_semaphore(%run_scoped3A_121 : memref<!tpu.dma_semaphore, #tpu.memory_space<semaphore_mem>>)
      %dma_wait3A_148 = arith.constant 0 : i32
      %dma_wait3A_149 = arith.constant 0 : i32
      %dma_wait3A_150 = tpu.memref_slice %arg6[%run_scoped3A_1, %dma_wait3A_148, %dma_wait3A_149] : memref<2x8x80xi32, #tpu.memory_space<vmem>> -> memref<1x8x80xi32, #tpu.memory_space<vmem>>
      %dma_wait3A_151 = tpu.memref_squeeze %dma_wait3A_150 : memref<1x8x80xi32, #tpu.memory_space<vmem>> -> memref<8x80xi32, #tpu.memory_space<vmem>>
      %dma_wait3A_152 = arith.constant 0 : i32
      %dma_wait3A_153 = arith.constant 0 : i32
      %dma_wait3A_154 = arith.constant 0 : i32
      %dma_wait3A_155 = tpu.memref_slice %arg2[%run_scoped3A, %dma_wait3A_152, %dma_wait3A_153, %dma_wait3A_154] : memref<2x32x128x80xi32, #tpu.memory_space<hbm>> -> memref<1x32x128x80xi32, #tpu.memory_space<hbm>>
      %dma_wait3A_156 = tpu.memref_squeeze %dma_wait3A_155 : memref<1x32x128x80xi32, #tpu.memory_space<hbm>> -> memref<32x128x80xi32, #tpu.memory_space<hbm>>
      %dma_wait3A_157 = arith.constant 0 : i32
      %dma_wait3A_158 = arith.constant 0 : i32
      %dma_wait3A_159 = tpu.memref_slice %dma_wait3A_156[%add3A, %dma_wait3A_157, %dma_wait3A_158] : memref<32x128x80xi32, #tpu.memory_space<hbm>> -> memref<1x8x80xi32, #tpu.memory_space<hbm>>
      %dma_wait3A_160 = tpu.memref_squeeze %dma_wait3A_159 : memref<1x8x80xi32, #tpu.memory_space<hbm>> -> memref<8x80xi32, #tpu.memory_space<hbm>>
      %dma_wait3A_161 = arith.constant 0 : i32
      %dma_wait3A_162 = arith.constant 0 : i32
      %dma_wait3A_163 = tpu.memref_slice %arg6[%run_scoped3A_1, %dma_wait3A_161, %dma_wait3A_162] : memref<2x8x80xi32, #tpu.memory_space<vmem>> -> memref<1x8x80xi32, #tpu.memory_space<vmem>>
      %dma_wait3A_164 = tpu.memref_squeeze %dma_wait3A_163 : memref<1x8x80xi32, #tpu.memory_space<vmem>> -> memref<8x80xi32, #tpu.memory_space<vmem>>
      %dma_wait3A_165 = arith.constant 0 : i32
      %dma_wait3A_166 = arith.constant 0 : i32
      %dma_wait3A_167 = arith.constant 0 : i32
      %dma_wait3A_168 = tpu.memref_slice %arg2[%run_scoped3A, %dma_wait3A_165, %dma_wait3A_166, %dma_wait3A_167] : memref<2x32x128x80xi32, #tpu.memory_space<hbm>> -> memref<1x32x128x80xi32, #tpu.memory_space<hbm>>
      %dma_wait3A_169 = tpu.memref_squeeze %dma_wait3A_168 : memref<1x32x128x80xi32, #tpu.memory_space<hbm>> -> memref<32x128x80xi32, #tpu.memory_space<hbm>>
      %dma_wait3A_170 = arith.constant 0 : i32
      %dma_wait3A_171 = arith.constant 0 : i32
      %dma_wait3A_172 = tpu.memref_slice %dma_wait3A_169[%add3A, %dma_wait3A_170, %dma_wait3A_171] : memref<32x128x80xi32, #tpu.memory_space<hbm>> -> memref<1x8x80xi32, #tpu.memory_space<hbm>>
      %dma_wait3A_173 = tpu.memref_squeeze %dma_wait3A_172 : memref<1x8x80xi32, #tpu.memory_space<hbm>> -> memref<8x80xi32, #tpu.memory_space<hbm>>
      tpu.wait_dma2 semaphore(%run_scoped3A_121 : memref<!tpu.dma_semaphore, #tpu.memory_space<semaphore_mem>>) src(%dma_wait3A_173 : memref<8x80xi32, #tpu.memory_space<hbm>>) dst(%dma_wait3A_164 : memref<8x80xi32, #tpu.memory_space<vmem>>)
      tpu.yield
    }) : () -> ()
    %run_scoped3A_2 = arith.constant 0 : i32
    %run_scoped3A_3 = arith.constant 0 : i32
    "tpu.region"() ({
      %run_scoped3A_121 = tpu.sem_alloc : memref<!tpu.dma_semaphore, #tpu.memory_space<semaphore_mem>>
      %dma_start3A_122 = arith.constant 0 : i32
      %dma_start3A_123 = arith.constant 0 : i32
      %dma_start3A_124 = tpu.memref_slice %arg7[%run_scoped3A_3, %dma_start3A_122, %dma_start3A_123] : memref<2x8x80xi32, #tpu.memory_space<vmem>> -> memref<1x8x80xi32, #tpu.memory_space<vmem>>
      %dma_start3A_125 = tpu.memref_squeeze %dma_start3A_124 : memref<1x8x80xi32, #tpu.memory_space<vmem>> -> memref<8x80xi32, #tpu.memory_space<vmem>>
      %dma_start3A_126 = arith.constant 0 : i32
      %dma_start3A_127 = arith.constant 0 : i32
      %dma_start3A_128 = arith.constant 0 : i32
      %dma_start3A_129 = tpu.memref_slice %arg2[%run_scoped3A_2, %dma_start3A_126, %dma_start3A_127, %dma_start3A_128] : memref<2x32x128x80xi32, #tpu.memory_space<hbm>> -> memref<1x32x128x80xi32, #tpu.memory_space<hbm>>
      %dma_start3A_130 = tpu.memref_squeeze %dma_start3A_129 : memref<1x32x128x80xi32, #tpu.memory_space<hbm>> -> memref<32x128x80xi32, #tpu.memory_space<hbm>>
      %dma_start3A_131 = arith.constant 0 : i32
      %dma_start3A_132 = arith.constant 0 : i32
      %dma_start3A_133 = tpu.memref_slice %dma_start3A_130[%add3A, %dma_start3A_131, %dma_start3A_132] : memref<32x128x80xi32, #tpu.memory_space<hbm>> -> memref<1x8x80xi32, #tpu.memory_space<hbm>>
      %dma_start3A_134 = tpu.memref_squeeze %dma_start3A_133 : memref<1x8x80xi32, #tpu.memory_space<hbm>> -> memref<8x80xi32, #tpu.memory_space<hbm>>
      %dma_start3A_135 = arith.constant 0 : i32
      %dma_start3A_136 = arith.constant 0 : i32
      %dma_start3A_137 = tpu.memref_slice %arg7[%run_scoped3A_3, %dma_start3A_135, %dma_start3A_136] : memref<2x8x80xi32, #tpu.memory_space<vmem>> -> memref<1x8x80xi32, #tpu.memory_space<vmem>>
      %dma_start3A_138 = tpu.memref_squeeze %dma_start3A_137 : memref<1x8x80xi32, #tpu.memory_space<vmem>> -> memref<8x80xi32, #tpu.memory_space<vmem>>
      %dma_start3A_139 = arith.constant 0 : i32
      %dma_start3A_140 = arith.constant 0 : i32
      %dma_start3A_141 = arith.constant 0 : i32
      %dma_start3A_142 = tpu.memref_slice %arg2[%run_scoped3A_2, %dma_start3A_139, %dma_start3A_140, %dma_start3A_141] : memref<2x32x128x80xi32, #tpu.memory_space<hbm>> -> memref<1x32x128x80xi32, #tpu.memory_space<hbm>>
      %dma_start3A_143 = tpu.memref_squeeze %dma_start3A_142 : memref<1x32x128x80xi32, #tpu.memory_space<hbm>> -> memref<32x128x80xi32, #tpu.memory_space<hbm>>
      %dma_start3A_144 = arith.constant 0 : i32
      %dma_start3A_145 = arith.constant 0 : i32
      %dma_start3A_146 = tpu.memref_slice %dma_start3A_143[%add3A, %dma_start3A_144, %dma_start3A_145] : memref<32x128x80xi32, #tpu.memory_space<hbm>> -> memref<1x8x80xi32, #tpu.memory_space<hbm>>
      %dma_start3A_147 = tpu.memref_squeeze %dma_start3A_146 : memref<1x8x80xi32, #tpu.memory_space<hbm>> -> memref<8x80xi32, #tpu.memory_space<hbm>>
      tpu.enqueue_dma source(%dma_start3A_147 : memref<8x80xi32, #tpu.memory_space<hbm>>) target(%dma_start3A_138 : memref<8x80xi32, #tpu.memory_space<vmem>>) target_semaphore(%run_scoped3A_121 : memref<!tpu.dma_semaphore, #tpu.memory_space<semaphore_mem>>)
      %dma_wait3A_148 = arith.constant 0 : i32
      %dma_wait3A_149 = arith.constant 0 : i32
      %dma_wait3A_150 = tpu.memref_slice %arg7[%run_scoped3A_3, %dma_wait3A_148, %dma_wait3A_149] : memref<2x8x80xi32, #tpu.memory_space<vmem>> -> memref<1x8x80xi32, #tpu.memory_space<vmem>>
      %dma_wait3A_151 = tpu.memref_squeeze %dma_wait3A_150 : memref<1x8x80xi32, #tpu.memory_space<vmem>> -> memref<8x80xi32, #tpu.memory_space<vmem>>
      %dma_wait3A_152 = arith.constant 0 : i32
      %dma_wait3A_153 = arith.constant 0 : i32
      %dma_wait3A_154 = arith.constant 0 : i32
      %dma_wait3A_155 = tpu.memref_slice %arg2[%run_scoped3A_2, %dma_wait3A_152, %dma_wait3A_153, %dma_wait3A_154] : memref<2x32x128x80xi32, #tpu.memory_space<hbm>> -> memref<1x32x128x80xi32, #tpu.memory_space<hbm>>
      %dma_wait3A_156 = tpu.memref_squeeze %dma_wait3A_155 : memref<1x32x128x80xi32, #tpu.memory_space<hbm>> -> memref<32x128x80xi32, #tpu.memory_space<hbm>>
      %dma_wait3A_157 = arith.constant 0 : i32
      %dma_wait3A_158 = arith.constant 0 : i32
      %dma_wait3A_159 = tpu.memref_slice %dma_wait3A_156[%add3A, %dma_wait3A_157, %dma_wait3A_158] : memref<32x128x80xi32, #tpu.memory_space<hbm>> -> memref<1x8x80xi32, #tpu.memory_space<hbm>>
      %dma_wait3A_160 = tpu.memref_squeeze %dma_wait3A_159 : memref<1x8x80xi32, #tpu.memory_space<hbm>> -> memref<8x80xi32, #tpu.memory_space<hbm>>
      %dma_wait3A_161 = arith.constant 0 : i32
      %dma_wait3A_162 = arith.constant 0 : i32
      %dma_wait3A_163 = tpu.memref_slice %arg7[%run_scoped3A_3, %dma_wait3A_161, %dma_wait3A_162] : memref<2x8x80xi32, #tpu.memory_space<vmem>> -> memref<1x8x80xi32, #tpu.memory_space<vmem>>
      %dma_wait3A_164 = tpu.memref_squeeze %dma_wait3A_163 : memref<1x8x80xi32, #tpu.memory_space<vmem>> -> memref<8x80xi32, #tpu.memory_space<vmem>>
      %dma_wait3A_165 = arith.constant 0 : i32
      %dma_wait3A_166 = arith.constant 0 : i32
      %dma_wait3A_167 = arith.constant 0 : i32
      %dma_wait3A_168 = tpu.memref_slice %arg2[%run_scoped3A_2, %dma_wait3A_165, %dma_wait3A_166, %dma_wait3A_167] : memref<2x32x128x80xi32, #tpu.memory_space<hbm>> -> memref<1x32x128x80xi32, #tpu.memory_space<hbm>>
      %dma_wait3A_169 = tpu.memref_squeeze %dma_wait3A_168 : memref<1x32x128x80xi32, #tpu.memory_space<hbm>> -> memref<32x128x80xi32, #tpu.memory_space<hbm>>
      %dma_wait3A_170 = arith.constant 0 : i32
      %dma_wait3A_171 = arith.constant 0 : i32
      %dma_wait3A_172 = tpu.memref_slice %dma_wait3A_169[%add3A, %dma_wait3A_170, %dma_wait3A_171] : memref<32x128x80xi32, #tpu.memory_space<hbm>> -> memref<1x8x80xi32, #tpu.memory_space<hbm>>
      %dma_wait3A_173 = tpu.memref_squeeze %dma_wait3A_172 : memref<1x8x80xi32, #tpu.memory_space<hbm>> -> memref<8x80xi32, #tpu.memory_space<hbm>>
      tpu.wait_dma2 semaphore(%run_scoped3A_121 : memref<!tpu.dma_semaphore, #tpu.memory_space<semaphore_mem>>) src(%dma_wait3A_173 : memref<8x80xi32, #tpu.memory_space<hbm>>) dst(%dma_wait3A_164 : memref<8x80xi32, #tpu.memory_space<vmem>>)
      tpu.yield
    }) : () -> ()
    %dma_start3A = arith.constant 0 : i32
    %dma_start3A_4 = arith.constant 0 : i32
    %dma_start3A_5 = arith.constant 0 : i32
    %dma_start3A_6 = arith.constant 0 : i32
    %dma_start3A_7 = arith.constant 0 : i32
    %dma_start3A_8 = tpu.memref_slice %arg8[%dma_start3A_5, %dma_start3A_6, %dma_start3A_7] : memref<3x80x128xf32, #tpu.memory_space<vmem>> -> memref<1x80x128xf32, #tpu.memory_space<vmem>>
    %dma_start3A_9 = tpu.memref_squeeze %dma_start3A_8 : memref<1x80x128xf32, #tpu.memory_space<vmem>> -> memref<80x128xf32, #tpu.memory_space<vmem>>
    %dma_start3A_10 = arith.constant 0 : i32
    %dma_start3A_11 = tpu.memref_slice %arg6[%dma_start3A, %dma_start3A_4, %dma_start3A_10] : memref<2x8x80xi32, #tpu.memory_space<vmem>> -> memref<1x1x80xi32, #tpu.memory_space<vmem>>
    %dma_start3A_12 = tpu.memref_squeeze %dma_start3A_11 : memref<1x1x80xi32, #tpu.memory_space<vmem>> -> memref<80xi32, #tpu.memory_space<vmem>>
    %dma_start3A_13 = arith.constant 0 : i32
    %dma_start3A_14 = arith.constant 0 : i32
    %dma_start3A_15 = tpu.memref_slice %arg3[%dma_start3A_13, %dma_start3A_14] : memref<10000x128xf32, #tpu.memory_space<hbm>> -> memref<10000x128xf32, #tpu.memory_space<hbm>>
    tpu.enqueue_indirect_dma source(%dma_start3A_15 : memref<10000x128xf32, #tpu.memory_space<hbm>>) target(%dma_start3A_9 : memref<80x128xf32, #tpu.memory_space<vmem>>) offsets(%dma_start3A_12 : memref<80xi32, #tpu.memory_space<vmem>>) semaphore(%arg14 : memref<!tpu.dma_semaphore, #tpu.memory_space<semaphore_mem>>)
    %dma_start3A_16 = arith.constant 0 : i32
    %dma_start3A_17 = arith.constant 1 : i32
    %dma_start3A_18 = arith.constant 1 : i32
    %dma_start3A_19 = arith.constant 0 : i32
    %dma_start3A_20 = arith.constant 0 : i32
    %dma_start3A_21 = tpu.memref_slice %arg8[%dma_start3A_18, %dma_start3A_19, %dma_start3A_20] : memref<3x80x128xf32, #tpu.memory_space<vmem>> -> memref<1x80x128xf32, #tpu.memory_space<vmem>>
    %dma_start3A_22 = tpu.memref_squeeze %dma_start3A_21 : memref<1x80x128xf32, #tpu.memory_space<vmem>> -> memref<80x128xf32, #tpu.memory_space<vmem>>
    %dma_start3A_23 = arith.constant 0 : i32
    %dma_start3A_24 = tpu.memref_slice %arg6[%dma_start3A_16, %dma_start3A_17, %dma_start3A_23] : memref<2x8x80xi32, #tpu.memory_space<vmem>> -> memref<1x1x80xi32, #tpu.memory_space<vmem>>
    %dma_start3A_25 = tpu.memref_squeeze %dma_start3A_24 : memref<1x1x80xi32, #tpu.memory_space<vmem>> -> memref<80xi32, #tpu.memory_space<vmem>>
    %dma_start3A_26 = arith.constant 0 : i32
    %dma_start3A_27 = arith.constant 0 : i32
    %dma_start3A_28 = tpu.memref_slice %arg3[%dma_start3A_26, %dma_start3A_27] : memref<10000x128xf32, #tpu.memory_space<hbm>> -> memref<10000x128xf32, #tpu.memory_space<hbm>>
    tpu.enqueue_indirect_dma source(%dma_start3A_28 : memref<10000x128xf32, #tpu.memory_space<hbm>>) target(%dma_start3A_22 : memref<80x128xf32, #tpu.memory_space<vmem>>) offsets(%dma_start3A_25 : memref<80xi32, #tpu.memory_space<vmem>>) semaphore(%arg14 : memref<!tpu.dma_semaphore, #tpu.memory_space<semaphore_mem>>)
    %broadcast_in_dim3A = arith.constant 1.000000e+00 : f32
    %broadcast_in_dim3A_29 = vector.broadcast %broadcast_in_dim3A : f32 to vector<16xf32>
    %swap3A = arith.constant 0 : index
    %swap3A_30 = tpu.vector_load %arg11[%swap3A] {strides = array<i32>} : memref<80xf32, #tpu.memory_space<vmem>>, vector<16xf32>,
    %swap3A_31 = vector.shape_cast %swap3A_30 : vector<16xf32> to vector<16xf32>
    %swap3A_32 = vector.shape_cast %broadcast_in_dim3A_29 : vector<16xf32> to vector<16xf32>
    tpu.vector_store %arg11[%swap3A], %swap3A_32 {strides = array<i32>} : memref<80xf32, #tpu.memory_space<vmem>>, vector<16xf32>,
    %broadcast_in_dim3A_33 = arith.constant 1.000000e+00 : f32
    %broadcast_in_dim3A_34 = vector.broadcast %broadcast_in_dim3A_33 : f32 to vector<16xf32>
    %swap3A_35 = arith.constant 16 : index
    %swap3A_36 = tpu.vector_load %arg11[%swap3A_35] {strides = array<i32>} : memref<80xf32, #tpu.memory_space<vmem>>, vector<16xf32>,
    %swap3A_37 = vector.shape_cast %swap3A_36 : vector<16xf32> to vector<16xf32>
    %swap3A_38 = vector.shape_cast %broadcast_in_dim3A_34 : vector<16xf32> to vector<16xf32>
    tpu.vector_store %arg11[%swap3A_35], %swap3A_38 {strides = array<i32>} : memref<80xf32, #tpu.memory_space<vmem>>, vector<16xf32>,
    %broadcast_in_dim3A_39 = arith.constant 1.000000e+00 : f32
    %broadcast_in_dim3A_40 = vector.broadcast %broadcast_in_dim3A_39 : f32 to vector<16xf32>
    %swap3A_41 = arith.constant 32 : index
    %swap3A_42 = tpu.vector_load %arg11[%swap3A_41] {strides = array<i32>} : memref<80xf32, #tpu.memory_space<vmem>>, vector<16xf32>,
    %swap3A_43 = vector.shape_cast %swap3A_42 : vector<16xf32> to vector<16xf32>
    %swap3A_44 = vector.shape_cast %broadcast_in_dim3A_40 : vector<16xf32> to vector<16xf32>
    tpu.vector_store %arg11[%swap3A_41], %swap3A_44 {strides = array<i32>} : memref<80xf32, #tpu.memory_space<vmem>>, vector<16xf32>,
    %broadcast_in_dim3A_45 = arith.constant 1.000000e+00 : f32
    %broadcast_in_dim3A_46 = vector.broadcast %broadcast_in_dim3A_45 : f32 to vector<16xf32>
    %swap3A_47 = arith.constant 48 : index
    %swap3A_48 = tpu.vector_load %arg11[%swap3A_47] {strides = array<i32>} : memref<80xf32, #tpu.memory_space<vmem>>, vector<16xf32>,
    %swap3A_49 = vector.shape_cast %swap3A_48 : vector<16xf32> to vector<16xf32>
    %swap3A_50 = vector.shape_cast %broadcast_in_dim3A_46 : vector<16xf32> to vector<16xf32>
    tpu.vector_store %arg11[%swap3A_47], %swap3A_50 {strides = array<i32>} : memref<80xf32, #tpu.memory_space<vmem>>, vector<16xf32>,
    %broadcast_in_dim3A_51 = arith.constant 1.000000e+00 : f32
    %broadcast_in_dim3A_52 = vector.broadcast %broadcast_in_dim3A_51 : f32 to vector<16xf32>
    %swap3A_53 = arith.constant 64 : index
    %swap3A_54 = tpu.vector_load %arg11[%swap3A_53] {strides = array<i32>} : memref<80xf32, #tpu.memory_space<vmem>>, vector<16xf32>,
    %swap3A_55 = vector.shape_cast %swap3A_54 : vector<16xf32> to vector<16xf32>
    %swap3A_56 = vector.shape_cast %broadcast_in_dim3A_52 : vector<16xf32> to vector<16xf32>
    tpu.vector_store %arg11[%swap3A_53], %swap3A_56 {strides = array<i32>} : memref<80xf32, #tpu.memory_space<vmem>>, vector<16xf32>,
    %scan3A = arith.constant 0 : i32
    %scan3A_57 = arith.constant 0 : i32
    %scan3A_58 = arith.constant 64 : i32
    %scan3A_59 = arith.addi %scan3A_57, %scan3A_58 : i32
    %scan3A_60 = arith.constant 1 : i32
    scf.for %scan3A_121 = %scan3A_57 to %scan3A_59 step %scan3A_60  : i32 {
      %broadcast_in_dim3A_122 = arith.constant 0.000000e+00 : f32
      %broadcast_in_dim3A_123 = vector.broadcast %broadcast_in_dim3A_122 : f32 to vector<16xf32>
      %jit3A = arith.constant 8 : i32
      %div3A = arith.divsi %scan3A_121, %jit3A : i32
      %sign3A = arith.constant 0 : i32
      %sign3A_124 = arith.cmpi sgt, %scan3A_121, %sign3A : i32
      %sign3A_125 = arith.extui %sign3A_124 : i1 to i32
      %sign3A_126 = arith.constant 0 : i32
      %sign3A_127 = arith.cmpi slt, %scan3A_121, %sign3A_126 : i32
      %sign3A_128 = arith.extui %sign3A_127 : i1 to i32
      %sign3A_129 = arith.subi %sign3A_125, %sign3A_128 : i32
      %sign3A_130 = arith.constant 0 : i32
      %sign3A_131 = arith.cmpi sgt, %jit3A, %sign3A_130 : i32
      %sign3A_132 = arith.extui %sign3A_131 : i1 to i32
      %sign3A_133 = arith.constant 0 : i32
      %sign3A_134 = arith.cmpi slt, %jit3A, %sign3A_133 : i32
      %sign3A_135 = arith.extui %sign3A_134 : i1 to i32
      %sign3A_136 = arith.subi %sign3A_132, %sign3A_135 : i32
      %ne3A = arith.cmpi ne, %sign3A_129, %sign3A_136 : i32
      %rem3A = arith.remsi %scan3A_121, %jit3A : i32
      %ne3A_137 = arith.constant 0 : i32
      %ne3A_138 = arith.cmpi ne, %rem3A, %ne3A_137 : i32
      %and3A = arith.andi %ne3A, %ne3A_138 : i1
      %sub3A = arith.constant 1 : i32
      %sub3A_139 = arith.subi %div3A, %sub3A : i32
      %select_n3A = arith.select %and3A, %sub3A_139, %div3A : i32
      %jit3A_140 = arith.constant 8 : i32
      %eq3A = arith.constant 0 : i32
      %eq3A_141 = arith.cmpi eq, %jit3A_140, %eq3A : i32
      %jit3A_142 = arith.constant 1 : i32
      %select_n3A_143 = arith.select %eq3A_141, %jit3A_142, %jit3A_140 : i32
      %rem3A_144 = arith.remsi %scan3A_121, %select_n3A_143 : i32
      %ne3A_145 = arith.constant 0 : i32
      %ne3A_146 = arith.cmpi ne, %rem3A_144, %ne3A_145 : i32
      %lt3A = arith.constant 0 : i32
      %lt3A_147 = arith.cmpi slt, %rem3A_144, %lt3A : i32
      %lt3A_148 = arith.constant 0 : i32
      %lt3A_149 = arith.cmpi slt, %select_n3A_143, %lt3A_148 : i32
      %ne3A_150 = arith.xori %lt3A_147, %lt3A_149 : i1
      %and3A_151 = arith.andi %ne3A_150, %ne3A_146 : i1
      %add3A_152 = arith.addi %rem3A_144, %select_n3A_143 : i32
      %select_n3A_153 = arith.select %and3A_151, %add3A_152, %rem3A_144 : i32
      %mul3A_154 = arith.constant 16 : i32
      %mul3A_155 = arith.muli %select_n3A_153, %mul3A_154 : i32
      %swap3A_156 = arith.index_cast %select_n3A : i32 to index
      %swap3A_157 = arith.index_cast %mul3A_155 : i32 to index
      %swap3A_158 = tpu.vector_load %arg9[%swap3A_156, %swap3A_157] {strides = array<i32>} : memref<8x128xf32, #tpu.memory_space<vmem>>, vector<1x16xf32>,
      %swap3A_159 = vector.shape_cast %swap3A_158 : vector<1x16xf32> to vector<16xf32>
      %swap3A_160 = vector.shape_cast %broadcast_in_dim3A_123 : vector<16xf32> to vector<1x16xf32>
      tpu.vector_store %arg9[%swap3A_156, %swap3A_157], %swap3A_160 {strides = array<i32>} : memref<8x128xf32, #tpu.memory_space<vmem>>, vector<1x16xf32>,
    }
    %scan3A_61 = arith.constant 64 : i32
    %scan3A_62 = arith.constant 0 : i32
    %scan3A_63 = arith.constant 0 : i32
    %scan3A_64 = arith.constant 40 : i32
    %scan3A_65 = arith.addi %scan3A_63, %scan3A_64 : i32
    %scan3A_66 = arith.constant 1 : i32
    scf.for %scan3A_121 = %scan3A_63 to %scan3A_65 step %scan3A_66  : i32 {
      %broadcast_in_dim3A_122 = arith.constant 0.000000e+00 : f32
      %broadcast_in_dim3A_123 = vector.broadcast %broadcast_in_dim3A_122 : f32 to vector<16xf32>
      %mul3A_124 = arith.constant 16 : i32
      %mul3A_125 = arith.muli %scan3A_121, %mul3A_124 : i32
      %swap3A_126 = arith.index_cast %mul3A_125 : i32 to index
      %swap3A_127 = tpu.vector_load %arg10[%swap3A_126] {strides = array<i32>} : memref<640xf32, #tpu.memory_space<vmem>>, vector<16xf32>,
      %swap3A_128 = vector.shape_cast %swap3A_127 : vector<16xf32> to vector<16xf32>
      %swap3A_129 = vector.shape_cast %broadcast_in_dim3A_123 : vector<16xf32> to vector<16xf32>
      tpu.vector_store %arg10[%swap3A_126], %swap3A_129 {strides = array<i32>} : memref<640xf32, #tpu.memory_space<vmem>>, vector<16xf32>,
    }
    %scan3A_67 = arith.constant 40 : i32
    %scan3A_68 = arith.constant 0 : i32
    %scan3A_69 = arith.constant 0 : i32
    %scan3A_70 = arith.constant 80 : i32
    %scan3A_71 = arith.addi %scan3A_69, %scan3A_70 : i32
    %scan3A_72 = arith.constant 1 : i32
    scf.for %scan3A_121 = %scan3A_69 to %scan3A_71 step %scan3A_72  : i32 {
      %mul3A_122 = arith.constant 640 : i32
      %mul3A_123 = arith.muli %arg1, %mul3A_122 : i32
      %mul3A_124 = arith.constant 8 : i32
      %mul3A_125 = arith.muli %scan3A_121, %mul3A_124 : i32
      %add3A_126 = arith.addi %mul3A_123, %mul3A_125 : i32
      %dma_start3A_127 = arith.constant 0 : i32
      %dma_start3A_128 = tpu.memref_slice %arg12[%add3A_126, %dma_start3A_127] : memref<10240x128xf32, #tpu.memory_space<vmem_shared>> -> memref<8x128xf32, #tpu.memory_space<vmem_shared>>
      %dma_start3A_129 = arith.constant 0 : i32
      %dma_start3A_130 = tpu.memref_slice %arg12[%add3A_126, %dma_start3A_129] : memref<10240x128xf32, #tpu.memory_space<vmem_shared>> -> memref<8x128xf32, #tpu.memory_space<vmem_shared>>
      tpu.enqueue_dma source(%arg9 : memref<8x128xf32, #tpu.memory_space<vmem>>) target(%dma_start3A_130 : memref<8x128xf32, #tpu.memory_space<vmem_shared>>) target_semaphore(%arg16 : memref<!tpu.dma_semaphore, #tpu.memory_space<semaphore_mem>>)
    }
    %scan3A_73 = arith.constant 80 : i32
    %mul3A_74 = arith.constant 640 : i32
    %mul3A_75 = arith.muli %arg1, %mul3A_74 : i32
    "tpu.region"() ({
      %run_scoped3A_121 = tpu.sem_alloc : memref<!tpu.dma_semaphore, #tpu.memory_space<semaphore_mem>>
      %dma_start3A_122 = tpu.memref_slice %arg13[%mul3A_75] : memref<10240xf32, #tpu.memory_space<vmem_shared>> -> memref<640xf32, #tpu.memory_space<vmem_shared>>
      %dma_start3A_123 = tpu.memref_slice %arg13[%mul3A_75] : memref<10240xf32, #tpu.memory_space<vmem_shared>> -> memref<640xf32, #tpu.memory_space<vmem_shared>>
      tpu.enqueue_dma source(%arg10 : memref<640xf32, #tpu.memory_space<vmem>>) target(%dma_start3A_123 : memref<640xf32, #tpu.memory_space<vmem_shared>>) target_semaphore(%run_scoped3A_121 : memref<!tpu.dma_semaphore, #tpu.memory_space<semaphore_mem>>)
      %dma_wait3A_124 = tpu.memref_slice %arg13[%mul3A_75] : memref<10240xf32, #tpu.memory_space<vmem_shared>> -> memref<640xf32, #tpu.memory_space<vmem_shared>>
      %dma_wait3A_125 = tpu.memref_slice %arg13[%mul3A_75] : memref<10240xf32, #tpu.memory_space<vmem_shared>> -> memref<640xf32, #tpu.memory_space<vmem_shared>>
      tpu.wait_dma2 semaphore(%run_scoped3A_121 : memref<!tpu.dma_semaphore, #tpu.memory_space<semaphore_mem>>) src(%arg10 : memref<640xf32, #tpu.memory_space<vmem>>) dst(%dma_wait3A_125 : memref<640xf32, #tpu.memory_space<vmem_shared>>)
      tpu.yield
    }) : () -> ()
    %scan3A_76 = arith.constant 0 : i32
    %scan3A_77 = arith.constant 0 : i32
    %scan3A_78 = arith.constant 80 : i32
    %scan3A_79 = arith.addi %scan3A_77, %scan3A_78 : i32
    %scan3A_80 = arith.constant 1 : i32
    scf.for %scan3A_121 = %scan3A_77 to %scan3A_79 step %scan3A_80  : i32 {
      %mul3A_122 = arith.constant 640 : i32
      %mul3A_123 = arith.muli %arg1, %mul3A_122 : i32
      %dma_wait3A_124 = arith.constant 0 : i32
      %dma_wait3A_125 = tpu.memref_slice %arg12[%mul3A_123, %dma_wait3A_124] : memref<10240x128xf32, #tpu.memory_space<vmem_shared>> -> memref<8x128xf32, #tpu.memory_space<vmem_shared>>
      %dma_wait3A_126 = arith.constant 0 : i32
      %dma_wait3A_127 = tpu.memref_slice %arg12[%mul3A_123, %dma_wait3A_126] : memref<10240x128xf32, #tpu.memory_space<vmem_shared>> -> memref<8x128xf32, #tpu.memory_space<vmem_shared>>
      tpu.wait_dma2 semaphore(%arg16 : memref<!tpu.dma_semaphore, #tpu.memory_space<semaphore_mem>>) src(%arg9 : memref<8x128xf32, #tpu.memory_space<vmem>>) dst(%dma_wait3A_127 : memref<8x128xf32, #tpu.memory_space<vmem_shared>>)
    }
    %scan3A_81 = arith.constant 80 : i32
    %barrier3A = arith.constant 0 : index
    tpu.barrier barrier_id(%barrier3A)
    %scan3A_82 = arith.constant 0 : i32
    %scan3A_83 = arith.constant 1 : i32
    %scan3A_84 = arith.constant 0 : i32
    %scan3A_85 = arith.constant 0 : i32
    %scan3A_86 = arith.constant 125 : i32
    %scan3A_87 = arith.addi %scan3A_85, %scan3A_86 : i32
    %scan3A_88 = arith.constant 1 : i32
    scf.for %scan3A_121 = %scan3A_85 to %scan3A_87 step %scan3A_88  : i32 {
      %jit3A = arith.constant 8 : i32
      %div3A = arith.divsi %scan3A_121, %jit3A : i32
      %sign3A = arith.constant 0 : i32
      %sign3A_122 = arith.cmpi sgt, %scan3A_121, %sign3A : i32
      %sign3A_123 = arith.extui %sign3A_122 : i1 to i32
      %sign3A_124 = arith.constant 0 : i32
      %sign3A_125 = arith.cmpi slt, %scan3A_121, %sign3A_124 : i32
      %sign3A_126 = arith.extui %sign3A_125 : i1 to i32
      %sign3A_127 = arith.subi %sign3A_123, %sign3A_126 : i32
      %sign3A_128 = arith.constant 0 : i32
      %sign3A_129 = arith.cmpi sgt, %jit3A, %sign3A_128 : i32
      %sign3A_130 = arith.extui %sign3A_129 : i1 to i32
      %sign3A_131 = arith.constant 0 : i32
      %sign3A_132 = arith.cmpi slt, %jit3A, %sign3A_131 : i32
      %sign3A_133 = arith.extui %sign3A_132 : i1 to i32
      %sign3A_134 = arith.subi %sign3A_130, %sign3A_133 : i32
      %ne3A = arith.cmpi ne, %sign3A_127, %sign3A_134 : i32
      %rem3A = arith.remsi %scan3A_121, %jit3A : i32
      %ne3A_135 = arith.constant 0 : i32
      %ne3A_136 = arith.cmpi ne, %rem3A, %ne3A_135 : i32
      %and3A = arith.andi %ne3A, %ne3A_136 : i1
      %sub3A = arith.constant 1 : i32
      %sub3A_137 = arith.subi %div3A, %sub3A : i32
      %select_n3A = arith.select %and3A, %sub3A_137, %div3A : i32
      %rem3A_138 = arith.constant 8 : i32
      %rem3A_139 = arith.remsi %scan3A_121, %rem3A_138 : i32
      %rem3A_140 = arith.constant 2 : i32
      %rem3A_141 = arith.remsi %select_n3A, %rem3A_140 : i32
      %rem3A_142 = arith.constant 3 : i32
      %rem3A_143 = arith.remsi %scan3A_121, %rem3A_142 : i32
      %dma_wait3A_144 = arith.constant 0 : i32
      %dma_wait3A_145 = arith.constant 0 : i32
      %dma_wait3A_146 = arith.constant 0 : i32
      %dma_wait3A_147 = arith.constant 0 : i32
      %dma_wait3A_148 = tpu.memref_slice %arg8[%rem3A_143, %dma_wait3A_146, %dma_wait3A_147] : memref<3x80x128xf32, #tpu.memory_space<vmem>> -> memref<1x80x128xf32, #tpu.memory_space<vmem>>
      %dma_wait3A_149 = tpu.memref_squeeze %dma_wait3A_148 : memref<1x80x128xf32, #tpu.memory_space<vmem>> -> memref<80x128xf32, #tpu.memory_space<vmem>>
      %dma_wait3A_150 = arith.constant 0 : i32
      %dma_wait3A_151 = tpu.memref_slice %arg6[%dma_wait3A_144, %dma_wait3A_145, %dma_wait3A_150] : memref<2x8x80xi32, #tpu.memory_space<vmem>> -> memref<1x1x80xi32, #tpu.memory_space<vmem>>
      %dma_wait3A_152 = tpu.memref_squeeze %dma_wait3A_151 : memref<1x1x80xi32, #tpu.memory_space<vmem>> -> memref<80xi32, #tpu.memory_space<vmem>>
      %dma_wait3A_153 = arith.constant 0 : i32
      %dma_wait3A_154 = arith.constant 0 : i32
      %dma_wait3A_155 = tpu.memref_slice %arg3[%dma_wait3A_153, %dma_wait3A_154] : memref<10000x128xf32, #tpu.memory_space<hbm>> -> memref<10000x128xf32, #tpu.memory_space<hbm>>
      tpu.wait_indirect_dma semaphore(%arg14 : memref<!tpu.dma_semaphore, #tpu.memory_space<semaphore_mem>>) src(%dma_wait3A_155 : memref<10000x128xf32, #tpu.memory_space<hbm>>) dst(%dma_wait3A_149 : memref<80x128xf32, #tpu.memory_space<vmem>>)
      %dma_start3A_156 = arith.constant 0 : i32
      %dma_start3A_157 = arith.constant 0 : i32
      %dma_start3A_158 = tpu.memref_slice %arg8[%rem3A_143, %dma_start3A_156, %dma_start3A_157] : memref<3x80x128xf32, #tpu.memory_space<vmem>> -> memref<1x80x128xf32, #tpu.memory_space<vmem>>
      %dma_start3A_159 = tpu.memref_squeeze %dma_start3A_158 : memref<1x80x128xf32, #tpu.memory_space<vmem>> -> memref<80x128xf32, #tpu.memory_space<vmem>>
      %dma_start3A_160 = arith.constant 0 : i32
      %dma_start3A_161 = tpu.memref_slice %arg7[%rem3A_141, %rem3A_139, %dma_start3A_160] : memref<2x8x80xi32, #tpu.memory_space<vmem>> -> memref<1x1x80xi32, #tpu.memory_space<vmem>>
      %dma_start3A_162 = tpu.memref_squeeze %dma_start3A_161 : memref<1x1x80xi32, #tpu.memory_space<vmem>> -> memref<80xi32, #tpu.memory_space<vmem>>
      %dma_start3A_163 = arith.constant 0 : i32
      %dma_start3A_164 = arith.constant 0 : i32
      %dma_start3A_165 = tpu.memref_slice %arg12[%dma_start3A_163, %dma_start3A_164] : memref<10240x128xf32, #tpu.memory_space<vmem_shared>> -> memref<10240x128xf32, #tpu.memory_space<vmem_shared>>
      tpu.enqueue_indirect_dma source(%dma_start3A_159 : memref<80x128xf32, #tpu.memory_space<vmem>>) target(%dma_start3A_165 : memref<10240x128xf32, #tpu.memory_space<vmem_shared>>) offsets(%dma_start3A_162 : memref<80xi32, #tpu.memory_space<vmem>>) semaphore(%arg15 : memref<!tpu.dma_semaphore, #tpu.memory_space<semaphore_mem>>) {add = true}
      %dma_start3A_166 = arith.constant 0 : i32
      %dma_start3A_167 = tpu.memref_slice %arg7[%rem3A_141, %rem3A_139, %dma_start3A_166] : memref<2x8x80xi32, #tpu.memory_space<vmem>> -> memref<1x1x80xi32, #tpu.memory_space<vmem>>
      %dma_start3A_168 = tpu.memref_squeeze %dma_start3A_167 : memref<1x1x80xi32, #tpu.memory_space<vmem>> -> memref<80xi32, #tpu.memory_space<vmem>>
      %dma_start3A_169 = arith.constant 0 : i32
      %dma_start3A_170 = tpu.memref_slice %arg13[%dma_start3A_169] : memref<10240xf32, #tpu.memory_space<vmem_shared>> -> memref<10240xf32, #tpu.memory_space<vmem_shared>>
      tpu.enqueue_indirect_dma source(%arg11 : memref<80xf32, #tpu.memory_space<vmem>>) target(%dma_start3A_170 : memref<10240xf32, #tpu.memory_space<vmem_shared>>) offsets(%dma_start3A_168 : memref<80xi32, #tpu.memory_space<vmem>>) semaphore(%arg17 : memref<!tpu.dma_semaphore, #tpu.memory_space<semaphore_mem>>) {add = true}
      %ge3A = arith.constant 1 : i32
      %ge3A_171 = arith.cmpi sge, %scan3A_121, %ge3A : i32
      %convert_element_type3A = arith.extui %ge3A_171 : i1 to i32
      %cond3A = arith.constant 0 : i32
      %cond3A_172 = arith.cmpi ne, %convert_element_type3A, %cond3A : i32
      scf.if %cond3A_172 {
        %dma_wait3A_190 = arith.constant 0 : i32
        %dma_wait3A_191 = arith.constant 0 : i32
        %dma_wait3A_192 = arith.constant 0 : i32
        %dma_wait3A_193 = arith.constant 0 : i32
        %dma_wait3A_194 = arith.constant 0 : i32
        %dma_wait3A_195 = tpu.memref_slice %arg8[%dma_wait3A_190, %dma_wait3A_193, %dma_wait3A_194] : memref<3x80x128xf32, #tpu.memory_space<vmem>> -> memref<1x80x128xf32, #tpu.memory_space<vmem>>
        %dma_wait3A_196 = tpu.memref_squeeze %dma_wait3A_195 : memref<1x80x128xf32, #tpu.memory_space<vmem>> -> memref<80x128xf32, #tpu.memory_space<vmem>>
        %dma_wait3A_197 = arith.constant 0 : i32
        %dma_wait3A_198 = tpu.memref_slice %arg7[%dma_wait3A_191, %dma_wait3A_192, %dma_wait3A_197] : memref<2x8x80xi32, #tpu.memory_space<vmem>> -> memref<1x1x80xi32, #tpu.memory_space<vmem>>
        %dma_wait3A_199 = tpu.memref_squeeze %dma_wait3A_198 : memref<1x1x80xi32, #tpu.memory_space<vmem>> -> memref<80xi32, #tpu.memory_space<vmem>>
        %dma_wait3A_200 = arith.constant 0 : i32
        %dma_wait3A_201 = arith.constant 0 : i32
        %dma_wait3A_202 = tpu.memref_slice %arg12[%dma_wait3A_200, %dma_wait3A_201] : memref<10240x128xf32, #tpu.memory_space<vmem_shared>> -> memref<10240x128xf32, #tpu.memory_space<vmem_shared>>
        tpu.wait_indirect_dma semaphore(%arg15 : memref<!tpu.dma_semaphore, #tpu.memory_space<semaphore_mem>>) src(%dma_wait3A_196 : memref<80x128xf32, #tpu.memory_space<vmem>>) dst(%dma_wait3A_202 : memref<10240x128xf32, #tpu.memory_space<vmem_shared>>)
      } else {
      }
      %eq3A = arith.constant 0 : i32
      %eq3A_173 = arith.cmpi eq, %rem3A_139, %eq3A : i32
      %add3A_174 = arith.constant 1 : i32
      %add3A_175 = arith.addi %select_n3A, %add3A_174 : i32
      %lt3A = arith.constant 16 : i32
      %lt3A_176 = arith.cmpi slt, %add3A_175, %lt3A : i32
      %and3A_177 = arith.andi %eq3A_173, %lt3A_176 : i1
      %convert_element_type3A_178 = arith.extui %and3A_177 : i1 to i32
      %cond3A_179 = arith.constant 0 : i32
      %cond3A_180 = arith.cmpi ne, %convert_element_type3A_178, %cond3A_179 : i32
      scf.if %cond3A_180 {
        %add3A_190 = arith.constant 1 : i32
        %add3A_191 = arith.addi %select_n3A, %add3A_190 : i32
        %mul3A_192 = arith.constant 8 : i32
        %mul3A_193 = arith.muli %add3A_191, %mul3A_192 : i32
        %sub3A_194 = arith.constant 1 : i32
        %sub3A_195 = arith.subi %sub3A_194, %rem3A_141 : i32
        %dma_start3A_196 = arith.constant 0 : i32
        %dma_start3A_197 = arith.constant 0 : i32
        %dma_start3A_198 = tpu.memref_slice %arg6[%sub3A_195, %dma_start3A_196, %dma_start3A_197] : memref<2x8x80xi32, #tpu.memory_space<vmem>> -> memref<1x8x80xi32, #tpu.memory_space<vmem>>
        %dma_start3A_199 = tpu.memref_squeeze %dma_start3A_198 : memref<1x8x80xi32, #tpu.memory_space<vmem>> -> memref<8x80xi32, #tpu.memory_space<vmem>>
        %dma_start3A_200 = arith.constant 0 : i32
        %dma_start3A_201 = arith.constant 0 : i32
        %dma_start3A_202 = arith.constant 0 : i32
        %dma_start3A_203 = tpu.memref_slice %arg2[%scan3A_83, %dma_start3A_200, %dma_start3A_201, %dma_start3A_202] : memref<2x32x128x80xi32, #tpu.memory_space<hbm>> -> memref<1x32x128x80xi32, #tpu.memory_space<hbm>>
        %dma_start3A_204 = tpu.memref_squeeze %dma_start3A_203 : memref<1x32x128x80xi32, #tpu.memory_space<hbm>> -> memref<32x128x80xi32, #tpu.memory_space<hbm>>
        %dma_start3A_205 = arith.constant 0 : i32
        %dma_start3A_206 = tpu.memref_slice %dma_start3A_204[%add3A, %mul3A_193, %dma_start3A_205] : memref<32x128x80xi32, #tpu.memory_space<hbm>> -> memref<1x8x80xi32, #tpu.memory_space<hbm>>
        %dma_start3A_207 = tpu.memref_squeeze %dma_start3A_206 : memref<1x8x80xi32, #tpu.memory_space<hbm>> -> memref<8x80xi32, #tpu.memory_space<hbm>>
        %dma_start3A_208 = arith.constant 0 : i32
        %dma_start3A_209 = arith.constant 0 : i32
        %dma_start3A_210 = tpu.memref_slice %arg6[%sub3A_195, %dma_start3A_208, %dma_start3A_209] : memref<2x8x80xi32, #tpu.memory_space<vmem>> -> memref<1x8x80xi32, #tpu.memory_space<vmem>>
        %dma_start3A_211 = tpu.memref_squeeze %dma_start3A_210 : memref<1x8x80xi32, #tpu.memory_space<vmem>> -> memref<8x80xi32, #tpu.memory_space<vmem>>
        %dma_start3A_212 = arith.constant 0 : i32
        %dma_start3A_213 = arith.constant 0 : i32
        %dma_start3A_214 = arith.constant 0 : i32
        %dma_start3A_215 = tpu.memref_slice %arg2[%scan3A_83, %dma_start3A_212, %dma_start3A_213, %dma_start3A_214] : memref<2x32x128x80xi32, #tpu.memory_space<hbm>> -> memref<1x32x128x80xi32, #tpu.memory_space<hbm>>
        %dma_start3A_216 = tpu.memref_squeeze %dma_start3A_215 : memref<1x32x128x80xi32, #tpu.memory_space<hbm>> -> memref<32x128x80xi32, #tpu.memory_space<hbm>>
        %dma_start3A_217 = arith.constant 0 : i32
        %dma_start3A_218 = tpu.memref_slice %dma_start3A_216[%add3A, %mul3A_193, %dma_start3A_217] : memref<32x128x80xi32, #tpu.memory_space<hbm>> -> memref<1x8x80xi32, #tpu.memory_space<hbm>>
        %dma_start3A_219 = tpu.memref_squeeze %dma_start3A_218 : memref<1x8x80xi32, #tpu.memory_space<hbm>> -> memref<8x80xi32, #tpu.memory_space<hbm>>
        tpu.enqueue_dma source(%dma_start3A_219 : memref<8x80xi32, #tpu.memory_space<hbm>>) target(%dma_start3A_211 : memref<8x80xi32, #tpu.memory_space<vmem>>) target_semaphore(%arg16 : memref<!tpu.dma_semaphore, #tpu.memory_space<semaphore_mem>>)
        %add3A_220 = arith.constant 1 : i32
        %add3A_221 = arith.addi %select_n3A, %add3A_220 : i32
        %mul3A_222 = arith.constant 8 : i32
        %mul3A_223 = arith.muli %add3A_221, %mul3A_222 : i32
        %sub3A_224 = arith.constant 1 : i32
        %sub3A_225 = arith.subi %sub3A_224, %rem3A_141 : i32
        %dma_start3A_226 = arith.constant 0 : i32
        %dma_start3A_227 = arith.constant 0 : i32
        %dma_start3A_228 = tpu.memref_slice %arg7[%sub3A_225, %dma_start3A_226, %dma_start3A_227] : memref<2x8x80xi32, #tpu.memory_space<vmem>> -> memref<1x8x80xi32, #tpu.memory_space<vmem>>
        %dma_start3A_229 = tpu.memref_squeeze %dma_start3A_228 : memref<1x8x80xi32, #tpu.memory_space<vmem>> -> memref<8x80xi32, #tpu.memory_space<vmem>>
        %dma_start3A_230 = arith.constant 0 : i32
        %dma_start3A_231 = arith.constant 0 : i32
        %dma_start3A_232 = arith.constant 0 : i32
        %dma_start3A_233 = tpu.memref_slice %arg2[%scan3A_84, %dma_start3A_230, %dma_start3A_231, %dma_start3A_232] : memref<2x32x128x80xi32, #tpu.memory_space<hbm>> -> memref<1x32x128x80xi32, #tpu.memory_space<hbm>>
        %dma_start3A_234 = tpu.memref_squeeze %dma_start3A_233 : memref<1x32x128x80xi32, #tpu.memory_space<hbm>> -> memref<32x128x80xi32, #tpu.memory_space<hbm>>
        %dma_start3A_235 = arith.constant 0 : i32
        %dma_start3A_236 = tpu.memref_slice %dma_start3A_234[%add3A, %mul3A_223, %dma_start3A_235] : memref<32x128x80xi32, #tpu.memory_space<hbm>> -> memref<1x8x80xi32, #tpu.memory_space<hbm>>
        %dma_start3A_237 = tpu.memref_squeeze %dma_start3A_236 : memref<1x8x80xi32, #tpu.memory_space<hbm>> -> memref<8x80xi32, #tpu.memory_space<hbm>>
        %dma_start3A_238 = arith.constant 0 : i32
        %dma_start3A_239 = arith.constant 0 : i32
        %dma_start3A_240 = tpu.memref_slice %arg7[%sub3A_225, %dma_start3A_238, %dma_start3A_239] : memref<2x8x80xi32, #tpu.memory_space<vmem>> -> memref<1x8x80xi32, #tpu.memory_space<vmem>>
        %dma_start3A_241 = tpu.memref_squeeze %dma_start3A_240 : memref<1x8x80xi32, #tpu.memory_space<vmem>> -> memref<8x80xi32, #tpu.memory_space<vmem>>
        %dma_start3A_242 = arith.constant 0 : i32
        %dma_start3A_243 = arith.constant 0 : i32
        %dma_start3A_244 = arith.constant 0 : i32
        %dma_start3A_245 = tpu.memref_slice %arg2[%scan3A_84, %dma_start3A_242, %dma_start3A_243, %dma_start3A_244] : memref<2x32x128x80xi32, #tpu.memory_space<hbm>> -> memref<1x32x128x80xi32, #tpu.memory_space<hbm>>
        %dma_start3A_246 = tpu.memref_squeeze %dma_start3A_245 : memref<1x32x128x80xi32, #tpu.memory_space<hbm>> -> memref<32x128x80xi32, #tpu.memory_space<hbm>>
        %dma_start3A_247 = arith.constant 0 : i32
        %dma_start3A_248 = tpu.memref_slice %dma_start3A_246[%add3A, %mul3A_223, %dma_start3A_247] : memref<32x128x80xi32, #tpu.memory_space<hbm>> -> memref<1x8x80xi32, #tpu.memory_space<hbm>>
        %dma_start3A_249 = tpu.memref_squeeze %dma_start3A_248 : memref<1x8x80xi32, #tpu.memory_space<hbm>> -> memref<8x80xi32, #tpu.memory_space<hbm>>
        tpu.enqueue_dma source(%dma_start3A_249 : memref<8x80xi32, #tpu.memory_space<hbm>>) target(%dma_start3A_241 : memref<8x80xi32, #tpu.memory_space<vmem>>) target_semaphore(%arg16 : memref<!tpu.dma_semaphore, #tpu.memory_space<semaphore_mem>>)
      } else {
      }
      %add3A_181 = arith.constant 3 : i32
      %add3A_182 = arith.addi %scan3A_121, %add3A_181 : i32
      %sub3A_183 = arith.constant 1 : i32
      %sub3A_184 = arith.subi %add3A_182, %sub3A_183 : i32
      %lt3A_185 = arith.constant 125 : i32
      %lt3A_186 = arith.cmpi slt, %sub3A_184, %lt3A_185 : i32
      %convert_element_type3A_187 = arith.extui %lt3A_186 : i1 to i32
      %cond3A_188 = arith.constant 0 : i32
      %cond3A_189 = arith.cmpi ne, %convert_element_type3A_187, %cond3A_188 : i32
      scf.if %cond3A_189 {
        %rem3A_190 = arith.constant 8 : i32
        %rem3A_191 = arith.remsi %sub3A_184, %rem3A_190 : i32
        %jit3A_192 = arith.constant 8 : i32
        %div3A_193 = arith.divsi %sub3A_184, %jit3A_192 : i32
        %sign3A_194 = arith.constant 0 : i32
        %sign3A_195 = arith.cmpi sgt, %sub3A_184, %sign3A_194 : i32
        %sign3A_196 = arith.extui %sign3A_195 : i1 to i32
        %sign3A_197 = arith.constant 0 : i32
        %sign3A_198 = arith.cmpi slt, %sub3A_184, %sign3A_197 : i32
        %sign3A_199 = arith.extui %sign3A_198 : i1 to i32
        %sign3A_200 = arith.subi %sign3A_196, %sign3A_199 : i32
        %sign3A_201 = arith.constant 0 : i32
        %sign3A_202 = arith.cmpi sgt, %jit3A_192, %sign3A_201 : i32
        %sign3A_203 = arith.extui %sign3A_202 : i1 to i32
        %sign3A_204 = arith.constant 0 : i32
        %sign3A_205 = arith.cmpi slt, %jit3A_192, %sign3A_204 : i32
        %sign3A_206 = arith.extui %sign3A_205 : i1 to i32
        %sign3A_207 = arith.subi %sign3A_203, %sign3A_206 : i32
        %ne3A_208 = arith.cmpi ne, %sign3A_200, %sign3A_207 : i32
        %rem3A_209 = arith.remsi %sub3A_184, %jit3A_192 : i32
        %ne3A_210 = arith.constant 0 : i32
        %ne3A_211 = arith.cmpi ne, %rem3A_209, %ne3A_210 : i32
        %and3A_212 = arith.andi %ne3A_208, %ne3A_211 : i1
        %sub3A_213 = arith.constant 1 : i32
        %sub3A_214 = arith.subi %div3A_193, %sub3A_213 : i32
        %select_n3A_215 = arith.select %and3A_212, %sub3A_214, %div3A_193 : i32
        %rem3A_216 = arith.constant 2 : i32
        %rem3A_217 = arith.remsi %select_n3A_215, %rem3A_216 : i32
        %eq3A_218 = arith.constant 0 : i32
        %eq3A_219 = arith.cmpi eq, %rem3A_191, %eq3A_218 : i32
        %convert_element_type3A_220 = arith.extui %eq3A_219 : i1 to i32
        %cond3A_221 = arith.constant 0 : i32
        %cond3A_222 = arith.cmpi ne, %convert_element_type3A_220, %cond3A_221 : i32
        scf.if %cond3A_222 {
          %dma_wait3A_235 = arith.constant 0 : i32
          %dma_wait3A_236 = arith.constant 0 : i32
          %dma_wait3A_237 = arith.constant 0 : i32
          %dma_wait3A_238 = tpu.memref_slice %arg6[%dma_wait3A_235, %dma_wait3A_236, %dma_wait3A_237] : memref<2x8x80xi32, #tpu.memory_space<vmem>> -> memref<1x8x80xi32, #tpu.memory_space<vmem>>
          %dma_wait3A_239 = tpu.memref_squeeze %dma_wait3A_238 : memref<1x8x80xi32, #tpu.memory_space<vmem>> -> memref<8x80xi32, #tpu.memory_space<vmem>>
          %dma_wait3A_240 = arith.constant 0 : i32
          %dma_wait3A_241 = arith.constant 0 : i32
          %dma_wait3A_242 = arith.constant 0 : i32
          %dma_wait3A_243 = tpu.memref_slice %arg2[%scan3A_83, %dma_wait3A_240, %dma_wait3A_241, %dma_wait3A_242] : memref<2x32x128x80xi32, #tpu.memory_space<hbm>> -> memref<1x32x128x80xi32, #tpu.memory_space<hbm>>
          %dma_wait3A_244 = tpu.memref_squeeze %dma_wait3A_243 : memref<1x32x128x80xi32, #tpu.memory_space<hbm>> -> memref<32x128x80xi32, #tpu.memory_space<hbm>>
          %dma_wait3A_245 = arith.constant 0 : i32
          %dma_wait3A_246 = arith.constant 0 : i32
          %dma_wait3A_247 = tpu.memref_slice %dma_wait3A_244[%add3A, %dma_wait3A_245, %dma_wait3A_246] : memref<32x128x80xi32, #tpu.memory_space<hbm>> -> memref<1x8x80xi32, #tpu.memory_space<hbm>>
          %dma_wait3A_248 = tpu.memref_squeeze %dma_wait3A_247 : memref<1x8x80xi32, #tpu.memory_space<hbm>> -> memref<8x80xi32, #tpu.memory_space<hbm>>
          %dma_wait3A_249 = arith.constant 0 : i32
          %dma_wait3A_250 = arith.constant 0 : i32
          %dma_wait3A_251 = tpu.memref_slice %arg6[%dma_wait3A_235, %dma_wait3A_249, %dma_wait3A_250] : memref<2x8x80xi32, #tpu.memory_space<vmem>> -> memref<1x8x80xi32, #tpu.memory_space<vmem>>
          %dma_wait3A_252 = tpu.memref_squeeze %dma_wait3A_251 : memref<1x8x80xi32, #tpu.memory_space<vmem>> -> memref<8x80xi32, #tpu.memory_space<vmem>>
          %dma_wait3A_253 = arith.constant 0 : i32
          %dma_wait3A_254 = arith.constant 0 : i32
          %dma_wait3A_255 = arith.constant 0 : i32
          %dma_wait3A_256 = tpu.memref_slice %arg2[%scan3A_83, %dma_wait3A_253, %dma_wait3A_254, %dma_wait3A_255] : memref<2x32x128x80xi32, #tpu.memory_space<hbm>> -> memref<1x32x128x80xi32, #tpu.memory_space<hbm>>
          %dma_wait3A_257 = tpu.memref_squeeze %dma_wait3A_256 : memref<1x32x128x80xi32, #tpu.memory_space<hbm>> -> memref<32x128x80xi32, #tpu.memory_space<hbm>>
          %dma_wait3A_258 = arith.constant 0 : i32
          %dma_wait3A_259 = arith.constant 0 : i32
          %dma_wait3A_260 = tpu.memref_slice %dma_wait3A_257[%add3A, %dma_wait3A_258, %dma_wait3A_259] : memref<32x128x80xi32, #tpu.memory_space<hbm>> -> memref<1x8x80xi32, #tpu.memory_space<hbm>>
          %dma_wait3A_261 = tpu.memref_squeeze %dma_wait3A_260 : memref<1x8x80xi32, #tpu.memory_space<hbm>> -> memref<8x80xi32, #tpu.memory_space<hbm>>
          tpu.wait_dma2 semaphore(%arg16 : memref<!tpu.dma_semaphore, #tpu.memory_space<semaphore_mem>>) src(%dma_wait3A_261 : memref<8x80xi32, #tpu.memory_space<hbm>>) dst(%dma_wait3A_252 : memref<8x80xi32, #tpu.memory_space<vmem>>)
          %dma_wait3A_262 = arith.constant 0 : i32
          %dma_wait3A_263 = arith.constant 0 : i32
          %dma_wait3A_264 = arith.constant 0 : i32
          %dma_wait3A_265 = tpu.memref_slice %arg7[%dma_wait3A_262, %dma_wait3A_263, %dma_wait3A_264] : memref<2x8x80xi32, #tpu.memory_space<vmem>> -> memref<1x8x80xi32, #tpu.memory_space<vmem>>
          %dma_wait3A_266 = tpu.memref_squeeze %dma_wait3A_265 : memref<1x8x80xi32, #tpu.memory_space<vmem>> -> memref<8x80xi32, #tpu.memory_space<vmem>>
          %dma_wait3A_267 = arith.constant 0 : i32
          %dma_wait3A_268 = arith.constant 0 : i32
          %dma_wait3A_269 = arith.constant 0 : i32
          %dma_wait3A_270 = tpu.memref_slice %arg2[%scan3A_84, %dma_wait3A_267, %dma_wait3A_268, %dma_wait3A_269] : memref<2x32x128x80xi32, #tpu.memory_space<hbm>> -> memref<1x32x128x80xi32, #tpu.memory_space<hbm>>
          %dma_wait3A_271 = tpu.memref_squeeze %dma_wait3A_270 : memref<1x32x128x80xi32, #tpu.memory_space<hbm>> -> memref<32x128x80xi32, #tpu.memory_space<hbm>>
          %dma_wait3A_272 = arith.constant 0 : i32
          %dma_wait3A_273 = arith.constant 0 : i32
          %dma_wait3A_274 = tpu.memref_slice %dma_wait3A_271[%add3A, %dma_wait3A_272, %dma_wait3A_273] : memref<32x128x80xi32, #tpu.memory_space<hbm>> -> memref<1x8x80xi32, #tpu.memory_space<hbm>>
          %dma_wait3A_275 = tpu.memref_squeeze %dma_wait3A_274 : memref<1x8x80xi32, #tpu.memory_space<hbm>> -> memref<8x80xi32, #tpu.memory_space<hbm>>
          %dma_wait3A_276 = arith.constant 0 : i32
          %dma_wait3A_277 = arith.constant 0 : i32
          %dma_wait3A_278 = tpu.memref_slice %arg7[%dma_wait3A_262, %dma_wait3A_276, %dma_wait3A_277] : memref<2x8x80xi32, #tpu.memory_space<vmem>> -> memref<1x8x80xi32, #tpu.memory_space<vmem>>
          %dma_wait3A_279 = tpu.memref_squeeze %dma_wait3A_278 : memref<1x8x80xi32, #tpu.memory_space<vmem>> -> memref<8x80xi32, #tpu.memory_space<vmem>>
          %dma_wait3A_280 = arith.constant 0 : i32
          %dma_wait3A_281 = arith.constant 0 : i32
          %dma_wait3A_282 = arith.constant 0 : i32
          %dma_wait3A_283 = tpu.memref_slice %arg2[%scan3A_84, %dma_wait3A_280, %dma_wait3A_281, %dma_wait3A_282] : memref<2x32x128x80xi32, #tpu.memory_space<hbm>> -> memref<1x32x128x80xi32, #tpu.memory_space<hbm>>
          %dma_wait3A_284 = tpu.memref_squeeze %dma_wait3A_283 : memref<1x32x128x80xi32, #tpu.memory_space<hbm>> -> memref<32x128x80xi32, #tpu.memory_space<hbm>>
          %dma_wait3A_285 = arith.constant 0 : i32
          %dma_wait3A_286 = arith.constant 0 : i32
          %dma_wait3A_287 = tpu.memref_slice %dma_wait3A_284[%add3A, %dma_wait3A_285, %dma_wait3A_286] : memref<32x128x80xi32, #tpu.memory_space<hbm>> -> memref<1x8x80xi32, #tpu.memory_space<hbm>>
          %dma_wait3A_288 = tpu.memref_squeeze %dma_wait3A_287 : memref<1x8x80xi32, #tpu.memory_space<hbm>> -> memref<8x80xi32, #tpu.memory_space<hbm>>
          tpu.wait_dma2 semaphore(%arg16 : memref<!tpu.dma_semaphore, #tpu.memory_space<semaphore_mem>>) src(%dma_wait3A_288 : memref<8x80xi32, #tpu.memory_space<hbm>>) dst(%dma_wait3A_279 : memref<8x80xi32, #tpu.memory_space<vmem>>)
        } else {
        }
        %rem3A_223 = arith.constant 3 : i32
        %rem3A_224 = arith.remsi %sub3A_184, %rem3A_223 : i32
        %dma_start3A_225 = arith.constant 0 : i32
        %dma_start3A_226 = arith.constant 0 : i32
        %dma_start3A_227 = tpu.memref_slice %arg8[%rem3A_224, %dma_start3A_225, %dma_start3A_226] : memref<3x80x128xf32, #tpu.memory_space<vmem>> -> memref<1x80x128xf32, #tpu.memory_space<vmem>>
        %dma_start3A_228 = tpu.memref_squeeze %dma_start3A_227 : memref<1x80x128xf32, #tpu.memory_space<vmem>> -> memref<80x128xf32, #tpu.memory_space<vmem>>
        %dma_start3A_229 = arith.constant 0 : i32
        %dma_start3A_230 = tpu.memref_slice %arg6[%rem3A_217, %rem3A_191, %dma_start3A_229] : memref<2x8x80xi32, #tpu.memory_space<vmem>> -> memref<1x1x80xi32, #tpu.memory_space<vmem>>
        %dma_start3A_231 = tpu.memref_squeeze %dma_start3A_230 : memref<1x1x80xi32, #tpu.memory_space<vmem>> -> memref<80xi32, #tpu.memory_space<vmem>>
        %dma_start3A_232 = arith.constant 0 : i32
        %dma_start3A_233 = arith.constant 0 : i32
        %dma_start3A_234 = tpu.memref_slice %arg3[%dma_start3A_232, %dma_start3A_233] : memref<10000x128xf32, #tpu.memory_space<hbm>> -> memref<10000x128xf32, #tpu.memory_space<hbm>>
        tpu.enqueue_indirect_dma source(%dma_start3A_234 : memref<10000x128xf32, #tpu.memory_space<hbm>>) target(%dma_start3A_228 : memref<80x128xf32, #tpu.memory_space<vmem>>) offsets(%dma_start3A_231 : memref<80xi32, #tpu.memory_space<vmem>>) semaphore(%arg14 : memref<!tpu.dma_semaphore, #tpu.memory_space<semaphore_mem>>)
      } else {
      }
    }
    %scan3A_89 = arith.constant 125 : i32
    %dma_wait3A = arith.constant 0 : i32
    %dma_wait3A_90 = arith.constant 0 : i32
    %dma_wait3A_91 = arith.constant 0 : i32
    %dma_wait3A_92 = arith.constant 0 : i32
    %dma_wait3A_93 = arith.constant 0 : i32
    %dma_wait3A_94 = tpu.memref_slice %arg8[%dma_wait3A, %dma_wait3A_92, %dma_wait3A_93] : memref<3x80x128xf32, #tpu.memory_space<vmem>> -> memref<1x80x128xf32, #tpu.memory_space<vmem>>
    %dma_wait3A_95 = tpu.memref_squeeze %dma_wait3A_94 : memref<1x80x128xf32, #tpu.memory_space<vmem>> -> memref<80x128xf32, #tpu.memory_space<vmem>>
    %dma_wait3A_96 = arith.constant 0 : i32
    %dma_wait3A_97 = tpu.memref_slice %arg7[%dma_wait3A_90, %dma_wait3A_91, %dma_wait3A_96] : memref<2x8x80xi32, #tpu.memory_space<vmem>> -> memref<1x1x80xi32, #tpu.memory_space<vmem>>
    %dma_wait3A_98 = tpu.memref_squeeze %dma_wait3A_97 : memref<1x1x80xi32, #tpu.memory_space<vmem>> -> memref<80xi32, #tpu.memory_space<vmem>>
    %dma_wait3A_99 = arith.constant 0 : i32
    %dma_wait3A_100 = arith.constant 0 : i32
    %dma_wait3A_101 = tpu.memref_slice %arg12[%dma_wait3A_99, %dma_wait3A_100] : memref<10240x128xf32, #tpu.memory_space<vmem_shared>> -> memref<10240x128xf32, #tpu.memory_space<vmem_shared>>
    tpu.wait_indirect_dma semaphore(%arg15 : memref<!tpu.dma_semaphore, #tpu.memory_space<semaphore_mem>>) src(%dma_wait3A_95 : memref<80x128xf32, #tpu.memory_space<vmem>>) dst(%dma_wait3A_101 : memref<10240x128xf32, #tpu.memory_space<vmem_shared>>)
    %scan3A_102 = arith.constant 0 : i32
    %scan3A_103 = arith.constant 0 : i32
    %scan3A_104 = arith.constant 125 : i32
    %scan3A_105 = arith.addi %scan3A_103, %scan3A_104 : i32
    %scan3A_106 = arith.constant 1 : i32
    scf.for %scan3A_121 = %scan3A_103 to %scan3A_105 step %scan3A_106  : i32 {
      %dma_wait3A_122 = arith.constant 0 : i32
      %dma_wait3A_123 = arith.constant 0 : i32
      %dma_wait3A_124 = arith.constant 0 : i32
      %dma_wait3A_125 = tpu.memref_slice %arg7[%dma_wait3A_122, %dma_wait3A_123, %dma_wait3A_124] : memref<2x8x80xi32, #tpu.memory_space<vmem>> -> memref<1x1x80xi32, #tpu.memory_space<vmem>>
      %dma_wait3A_126 = tpu.memref_squeeze %dma_wait3A_125 : memref<1x1x80xi32, #tpu.memory_space<vmem>> -> memref<80xi32, #tpu.memory_space<vmem>>
      %dma_wait3A_127 = arith.constant 0 : i32
      %dma_wait3A_128 = tpu.memref_slice %arg13[%dma_wait3A_127] : memref<10240xf32, #tpu.memory_space<vmem_shared>> -> memref<10240xf32, #tpu.memory_space<vmem_shared>>
      tpu.wait_indirect_dma semaphore(%arg17 : memref<!tpu.dma_semaphore, #tpu.memory_space<semaphore_mem>>) src(%arg11 : memref<80xf32, #tpu.memory_space<vmem>>) dst(%dma_wait3A_128 : memref<10240xf32, #tpu.memory_space<vmem_shared>>)
    }
    %scan3A_107 = arith.constant 125 : i32
    %barrier3A_108 = arith.constant 0 : index
    tpu.barrier barrier_id(%barrier3A_108)
    %mul3A_109 = arith.constant 640 : i32
    %mul3A_110 = arith.muli %arg1, %mul3A_109 : i32
    %dma_start3A_111 = arith.constant 0 : i32
    %dma_start3A_112 = tpu.memref_slice %arg4[%arg0, %mul3A_110, %dma_start3A_111] : memref<2x10240x128xf32, #tpu.memory_space<hbm>> -> memref<1x640x128xf32, #tpu.memory_space<hbm>>
    %dma_start3A_113 = tpu.memref_squeeze %dma_start3A_112 : memref<1x640x128xf32, #tpu.memory_space<hbm>> -> memref<640x128xf32, #tpu.memory_space<hbm>>
    %dma_start3A_114 = arith.constant 0 : i32
    %dma_start3A_115 = tpu.memref_slice %arg12[%mul3A_110, %dma_start3A_114] : memref<10240x128xf32, #tpu.memory_space<vmem_shared>> -> memref<640x128xf32, #tpu.memory_space<vmem_shared>>
    tpu.enqueue_dma source(%dma_start3A_115 : memref<640x128xf32, #tpu.memory_space<vmem_shared>>) target(%dma_start3A_113 : memref<640x128xf32, #tpu.memory_space<hbm>>) target_semaphore(%arg14 : memref<!tpu.dma_semaphore, #tpu.memory_space<semaphore_mem>>)
    "tpu.region"() ({
      %run_scoped3A_121 = tpu.sem_alloc : memref<!tpu.dma_semaphore, #tpu.memory_space<semaphore_mem>>
      %dma_start3A_122 = tpu.memref_slice %arg5[%arg0, %mul3A_110] : memref<2x10240xf32, #tpu.memory_space<hbm>> -> memref<1x640xf32, #tpu.memory_space<hbm>>
      %dma_start3A_123 = tpu.memref_squeeze %dma_start3A_122 : memref<1x640xf32, #tpu.memory_space<hbm>> -> memref<640xf32, #tpu.memory_space<hbm>>
      %dma_start3A_124 = tpu.memref_slice %arg13[%mul3A_110] : memref<10240xf32, #tpu.memory_space<vmem_shared>> -> memref<640xf32, #tpu.memory_space<vmem_shared>>
      tpu.enqueue_dma source(%dma_start3A_124 : memref<640xf32, #tpu.memory_space<vmem_shared>>) target(%dma_start3A_123 : memref<640xf32, #tpu.memory_space<hbm>>) target_semaphore(%run_scoped3A_121 : memref<!tpu.dma_semaphore, #tpu.memory_space<semaphore_mem>>)
      %dma_wait3A_125 = tpu.memref_slice %arg5[%arg0, %mul3A_110] : memref<2x10240xf32, #tpu.memory_space<hbm>> -> memref<1x640xf32, #tpu.memory_space<hbm>>
      %dma_wait3A_126 = tpu.memref_squeeze %dma_wait3A_125 : memref<1x640xf32, #tpu.memory_space<hbm>> -> memref<640xf32, #tpu.memory_space<hbm>>
      %dma_wait3A_127 = tpu.memref_slice %arg13[%mul3A_110] : memref<10240xf32, #tpu.memory_space<vmem_shared>> -> memref<640xf32, #tpu.memory_space<vmem_shared>>
      tpu.wait_dma2 semaphore(%run_scoped3A_121 : memref<!tpu.dma_semaphore, #tpu.memory_space<semaphore_mem>>) src(%dma_wait3A_127 : memref<640xf32, #tpu.memory_space<vmem_shared>>) dst(%dma_wait3A_126 : memref<640xf32, #tpu.memory_space<hbm>>)
      tpu.yield
    }) : () -> ()
    %dma_wait3A_116 = arith.constant 0 : i32
    %dma_wait3A_117 = tpu.memref_slice %arg4[%arg0, %mul3A_110, %dma_wait3A_116] : memref<2x10240x128xf32, #tpu.memory_space<hbm>> -> memref<1x640x128xf32, #tpu.memory_space<hbm>>
    %dma_wait3A_118 = tpu.memref_squeeze %dma_wait3A_117 : memref<1x640x128xf32, #tpu.memory_space<hbm>> -> memref<640x128xf32, #tpu.memory_space<hbm>>
    %dma_wait3A_119 = arith.constant 0 : i32
    %dma_wait3A_120 = tpu.memref_slice %arg12[%mul3A_110, %dma_wait3A_119] : memref<10240x128xf32, #tpu.memory_space<vmem_shared>> -> memref<640x128xf32, #tpu.memory_space<vmem_shared>>
    tpu.wait_dma2 semaphore(%arg14 : memref<!tpu.dma_semaphore, #tpu.memory_space<semaphore_mem>>) src(%dma_wait3A_120 : memref<640x128xf32, #tpu.memory_space<vmem_shared>>) dst(%dma_wait3A_118 : memref<640x128xf32, #tpu.memory_space<hbm>>)
    return
  }
}

module attributes {stable_mosaic.version = 14 : i64} {
  func.func @_finish_body(%arg0: i32, %arg1: memref<2x2048x128xf32, #tpu.memory_space<vmem>>, %arg2: memref<2x16x128xf32, #tpu.memory_space<vmem>>, %arg3: memref<128x128xf32, #tpu.memory_space<vmem>>, %arg4: memref<1x128xf32, #tpu.memory_space<vmem>>, %arg5: memref<2048x128xf32, #tpu.memory_space<vmem>>) attributes {dimension_semantics = [#tpu.dimension_semantics<arbitrary>], iteration_bounds = array<i64: 5>, scalar_prefetch = 0 : i64, scratch_operands = 0 : i64, tpu.core_type = #tpu.core_type<tc>, window_params = [{transform_indices = @transform_0, window_bounds = array<i64: 2, 2048, 128>}, {transform_indices = @transform_1, window_bounds = array<i64: 2, 16, 128>}, {pipeline_mode = #tpu.pipeline_mode<synchronous>, transform_indices = @transform_2, window_bounds = array<i64: 128, 128>}, {pipeline_mode = #tpu.pipeline_mode<synchronous>, transform_indices = @transform_3, window_bounds = array<i64: 1, 128>}, {transform_indices = @transform_4, window_bounds = array<i64: 2048, 128>}]} {
    %get3A = arith.constant 0 : index
    %get3A_0 = arith.constant 0 : index
    %get3A_1 = arith.constant 0 : index
    %get3A_2 = vector.load %arg1[%get3A, %get3A_0, %get3A_1] : memref<2x2048x128xf32, #tpu.memory_space<vmem>>, vector<1x2048x128xf32>
    %get3A_3 = vector.shape_cast %get3A_2 : vector<1x2048x128xf32> to vector<2048x128xf32>
    %get3A_4 = arith.constant 1 : index
    %get3A_5 = arith.constant 0 : index
    %get3A_6 = arith.constant 0 : index
    %get3A_7 = vector.load %arg1[%get3A_4, %get3A_5, %get3A_6] : memref<2x2048x128xf32, #tpu.memory_space<vmem>>, vector<1x2048x128xf32>
    %get3A_8 = vector.shape_cast %get3A_7 : vector<1x2048x128xf32> to vector<2048x128xf32>
    %add3A = arith.addf %get3A_3, %get3A_8 : vector<2048x128xf32>
    %get3A_9 = arith.constant 0 : index
    %get3A_10 = arith.constant 0 : index
    %get3A_11 = vector.load %arg3[%get3A_9, %get3A_10] : memref<128x128xf32, #tpu.memory_space<vmem>>, vector<128x128xf32>
    %dot_general3A = arith.constant dense<0.000000e+00> : vector<2048x128xf32>
    %dot_general3A_12 = tpu.matmul %add3A, %get3A_11, %dot_general3A {dimension_numbers = #tpu.dot_dimension_numbers<[1], [0], [0], [1], [0, 0, 1, 1], [], []>, transpose_lhs_hint = false} : vector<2048x128xf32>, vector<128x128xf32>, vector<2048x128xf32> -> vector<2048x128xf32>
    %get3A_13 = arith.constant 0 : index
    %get3A_14 = arith.constant 0 : index
    %get3A_15 = arith.constant 0 : index
    %get3A_16 = vector.load %arg2[%get3A_13, %get3A_14, %get3A_15] : memref<2x16x128xf32, #tpu.memory_space<vmem>>, vector<1x16x128xf32>
    %get3A_17 = vector.shape_cast %get3A_16 : vector<1x16x128xf32> to vector<16x128xf32>
    %get3A_18 = arith.constant 1 : index
    %get3A_19 = arith.constant 0 : index
    %get3A_20 = arith.constant 0 : index
    %get3A_21 = vector.load %arg2[%get3A_18, %get3A_19, %get3A_20] : memref<2x16x128xf32, #tpu.memory_space<vmem>>, vector<1x16x128xf32>
    %get3A_22 = vector.shape_cast %get3A_21 : vector<1x16x128xf32> to vector<16x128xf32>
    %add3A_23 = arith.addf %get3A_17, %get3A_22 : vector<16x128xf32>
    %reshape3A = vector.shape_cast %dot_general3A_12 : vector<2048x128xf32> to vector<16x128x128xf32>
    %broadcast_in_dim3A = vector.shape_cast %add3A_23 : vector<16x128xf32> to vector<16x128x1xf32>
    %get3A_24 = arith.constant 0 : index
    %get3A_25 = arith.constant 0 : index
    %get3A_26 = vector.load %arg4[%get3A_24, %get3A_25] : memref<1x128xf32, #tpu.memory_space<vmem>>, vector<1x128xf32>
    %reshape3A_27 = vector.shape_cast %get3A_26 : vector<1x128xf32> to vector<1x1x128xf32>
    %mul3A = vector.broadcast %broadcast_in_dim3A : vector<16x128x1xf32> to vector<16x128x128xf32>
    %mul3A_28 = vector.broadcast %reshape3A_27 : vector<1x1x128xf32> to vector<16x128x128xf32>
    %mul3A_29 = arith.mulf %mul3A, %mul3A_28 : vector<16x128x128xf32>
    %add3A_30 = arith.addf %reshape3A, %mul3A_29 : vector<16x128x128xf32>
    %reshape3A_31 = vector.shape_cast %add3A_30 : vector<16x128x128xf32> to vector<2048x128xf32>
    %tanh3A = math.tanh %reshape3A_31 : vector<2048x128xf32>
    %swap3A = arith.constant 0 : index
    %swap3A_32 = arith.constant 0 : index
    %swap3A_33 = vector.load %arg5[%swap3A, %swap3A_32] : memref<2048x128xf32, #tpu.memory_space<vmem>>, vector<2048x128xf32>
    tpu.vector_store %arg5[%swap3A, %swap3A_32], %tanh3A {strides = array<i32>} : memref<2048x128xf32, #tpu.memory_space<vmem>>, vector<2048x128xf32>,
    return
  }
  func.func @transform_0(%arg0: i32) -> (i32, i32, i32) {
    %c0_i32 = arith.constant 0 : i32
    %c0_i32_0 = arith.constant 0 : i32
    %c0_i32_1 = arith.constant 0 : i32
    return %c0_i32, %arg0, %c0_i32_0 : i32, i32, i32
  }
  func.func @transform_1(%arg0: i32) -> (i32, i32, i32) {
    %c0_i32 = arith.constant 0 : i32
    %c0_i32_0 = arith.constant 0 : i32
    %c0_i32_1 = arith.constant 0 : i32
    return %c0_i32, %arg0, %c0_i32_0 : i32, i32, i32
  }
  func.func @transform_2(%arg0: i32) -> (i32, i32) {
    %c0_i32 = arith.constant 0 : i32
    %c0_i32_0 = arith.constant 0 : i32
    %c0_i32_1 = arith.constant 0 : i32
    return %c0_i32, %c0_i32_0 : i32, i32
  }
  func.func @transform_3(%arg0: i32) -> (i32, i32) {
    %c0_i32 = arith.constant 0 : i32
    %c0_i32_0 = arith.constant 0 : i32
    %c0_i32_1 = arith.constant 0 : i32
    return %c0_i32, %c0_i32_0 : i32, i32
  }
  func.func @transform_4(%arg0: i32) -> (i32, i32) {
    %c0_i32 = arith.constant 0 : i32
    %c0_i32_0 = arith.constant 0 : i32
    return %arg0, %c0_i32 : i32, i32
  }
}

</mosaic_0001>

<sc_bundles>
// kernel: kernel.4.cloned.1.call-start
scs
__scs_entry_jumppad:
0x0: {  	(pc) =	sbr.rel $0x88, $3  }
0x1: {  	(tag) =	ssettag $0x0;
	lr =	simm.s32 $0x1  }
0x2: {  	[smem:$0x3F9D] =	sst lr;
	_ =	strace $0xD0000000  }
0x3: {  	_ = 	snop  }
0x4: {  	_ = 	snop  }
0x5: {  	_ = 	snop  }
0x6: {  	_ = 	snop  }
0x7: {  	_ = 	snop  }
__scs_overlays_trampoline_lowered:
0x8: {  	[smem:$0x3FAC] =	sst s0  }
0x9: {  	[smem:$0x3FAD] =	sst s1  }
0xa: {  	[smem:$0x3FAE] =	sst s2  }
0xb: {  	[smem:$0x3FAF] =	sst s3  }
0xc: {  	[smem:$0x3FB0] =	sst s4  }
0xd: {  	[smem:$0x3FB1] =	sst s5  }
0xe: {  	[smem:$0x3FB2] =	sst s6  }
0xf: {  	[smem:$0x3FB3] =	sst s7  }
0x10: {  	[smem:$0x3FB4] =	sst s8  }
0x11: {  	[smem:$0x3FB5] =	sst s9;
	s0 =	simm.s32 @!p0 $0x0  }
0x12: {  	s1 =	sld [smem:$0x3F9B];
	s0 =	simm.s32 @p0 $0x1  }
0x13: {  	[smem:$0x3FB6] =	sst s0;
	s0 =	simm.s32 @!p1 $0x0  }
0x14: {  	s2 =	sld [smem:$0x3F9A];
	s0 =	simm.s32 @p1 $0x1  }
0x15: {  	[smem:$0x3FB7] =	sst s0;
	s0 =	simm.s32 @!p2 $0x0  }
0x16: {  	s3 =	sld [smem:$0x3FDB];
	s0 =	simm.s32 @p2 $0x1  }
0x17: {  	s4 =	simm.s32 $0x1BF5;
	[smem:$0x3FB9] =	sst s0  }
0x18: {  	s0 =	sld [smem:$0x3F9C];
	_ =	swait.ge [sflag:s4], $0x0  }
0x19: {  	s7 =	sld [smem:$0x3F9D]  }
0x1a: {  	s8 =	sadd.s32 $0xFFFFE003, lr  }
0x1b: {  	s9 =	sadd.s32 $0xFFFFFEF7, lr;
	s5 =	simm.s32 $0xFFFFFFFF;
	p2 =	slt.u32 s8, $0xFFFFF086  }
0x1c: {  	p1 =	slt.u32 s9, $0xF7A;
	s5 =	simm.s32 @!p2 $0x0  }
0x1d: {  	s5 =	simm.s32 @p1 $0x1;
	p0 =	seq.s32 s7, s2  }
0x1e: {  	s7 =	smul.u32 @!p0 $0xF7A, s2;
	p2 =	seq.s32 @!p0 s5, $0x0  }
0x1f: {  	s9 =	smul.u32 $0xF7A, s1;
	s8 =	simm.s32 @!p0 $0x1BF5;
	p2 =	por !p2, p0  }
0x20: {  	[sflag:s8] =	ssyncset.s32 @!p0 $0xFFFFF086;
	s6 =	sadd.s32 @!p0 s3, s7;
	s7 =	simm.s32 @!p0 $0x108  }
0x21: {  	s3 =	sadd.s32 s3, s9;
	s6 =	sadd.s32 @!p0 $0x88, s6;
	s7 =	simm.s32 @p2 $0x1082  }
0x22: {  	[simem:s7], [sflag:s8] =	dma.local @!p0 [hbm:s6], $0xF7A  }
0x23: {  	s9 =	sor.u32 $0xD0000000, s2;
	s6 =	simm.s32 $0x108;
	_ =	swait.ge @!p0 [sflag:s8], $0x0  }
0x24: {  	s3 =	sadd.s32 $0x88, s3;
	s6 =	simm.s32 @!p1 $0x1082;
	[sflag:s4] =	ssyncset.s32 $0xFFFFF086  }
0x25: {  	[simem:s6], [sflag:s4] =	dma.local [hbm:s3], $0xF7A  }
0x26: {  	[smem:$0x3F9D] =	sst s1;
	(tag) =	ssettag s2;
	_ =	strace s9  }
0x27: {  	s1 =	sld [smem:$0x3FAD]  }
0x28: {  	s2 =	sld [smem:$0x3FAE]  }
0x29: {  	s4 =	sld [smem:$0x3FB0]  }
0x2a: {  	p0 =	seq.s32 s5, $0x0;
	s5 =	sld [smem:$0x3FB1]  }
0x2b: {  	s6 =	sld [smem:$0x3FB2]  }
0x2c: {  	s7 =	sld [smem:$0x3FB3]  }
0x2d: {  	s3 =	simm.s32 $0x108;
	s8 =	sld [smem:$0x3FB4]  }
0x2e: {  	s3 =	simm.s32 @!p0 $0x1082;
	s9 =	sld [smem:$0x3FB5]  }
0x2f: {  	lr =	sadd.s32 s0, s3;
	s0 =	sld [smem:$0x3FAC]  }
0x30: {  	s3 =	sld [smem:$0x3FAF]  }
0x31: {  	[smem:$0x3FB8] =	sst s10  }
0x32: {  	s10 =	sld [smem:$0x3FB6];
	_ =	sdelay $0x3  }
0x33: {  	p0 =	seq.s32 s10, $0x1;
	s10 =	sld [smem:$0x3FB8];
	_ =	sdelay $0x3  }
0x34: {  	[smem:$0x3FB8] =	sst s10  }
0x35: {  	s10 =	sld [smem:$0x3FB7];
	_ =	sdelay $0x3  }
0x36: {  	p1 =	seq.s32 s10, $0x1;
	s10 =	sld [smem:$0x3FB8];
	_ =	sdelay $0x3  }
0x37: {  	[smem:$0x3FB8] =	sst s10  }
0x38: {  	s10 =	sld [smem:$0x3FB9]  }
0x39: {  	_ = 	snop;
	(pc) =	sbr.ind lr, $3  }
0x3a: {  	_ = 	snop  }
0x3b: {  	_ = 	snop  }
0x3c: {  	p2 =	seq.s32 s10, $0x1;
	s10 =	sld [smem:$0x3FB8]  }
0x3d: {  	_ =	shalt  }
0x3e: {  	_ =	shalt  }
0x3f: {  	_ =	shalt  }
0x40: {  	_ =	shalt  }
0x41: {  	_ =	shalt  }
0x42: {  	_ =	shalt  }
0x43: {  	_ =	shalt  }
0x44: {  	_ =	shalt  }
0x45: {  	_ =	shalt  }
0x46: {  	_ =	shalt  }
0x47: {  	_ =	shalt  }
0x48: {  	_ =	shalt  }
0x49: {  	_ =	shalt  }
0x4a: {  	_ =	shalt  }
0x4b: {  	_ =	shalt  }
0x4c: {  	_ =	shalt  }
0x4d: {  	_ =	shalt  }
0x4e: {  	_ =	shalt  }
0x4f: {  	_ =	shalt  }
0x50: {  	_ =	shalt  }
0x51: {  	_ =	shalt  }
0x52: {  	_ =	shalt  }
0x53: {  	_ =	shalt  }
0x54: {  	_ =	shalt  }
0x55: {  	_ =	shalt  }
0x56: {  	_ =	shalt  }
0x57: {  	_ =	shalt  }
0x58: {  	_ =	shalt  }
0x59: {  	_ =	shalt  }
0x5a: {  	_ =	shalt  }
0x5b: {  	_ =	shalt  }
0x5c: {  	_ =	shalt  }
0x5d: {  	_ =	shalt  }
0x5e: {  	_ =	shalt  }
0x5f: {  	_ =	shalt  }
0x60: {  	_ =	shalt  }
0x61: {  	_ =	shalt  }
0x62: {  	_ =	shalt  }
0x63: {  	_ =	shalt  }
0x64: {  	_ =	shalt  }
0x65: {  	_ =	shalt  }
0x66: {  	_ =	shalt  }
0x67: {  	_ =	shalt  }
0x68: {  	_ =	shalt  }
0x69: {  	_ =	shalt  }
0x6a: {  	_ =	shalt  }
0x6b: {  	_ =	shalt  }
0x6c: {  	_ =	shalt  }
0x6d: {  	_ =	shalt  }
0x6e: {  	_ =	shalt  }
0x6f: {  	_ =	shalt  }
0x70: {  	_ =	shalt  }
0x71: {  	_ =	shalt  }
0x72: {  	_ =	shalt  }
0x73: {  	_ =	shalt  }
0x74: {  	_ =	shalt  }
0x75: {  	_ =	shalt  }
0x76: {  	_ =	shalt  }
0x77: {  	_ =	shalt  }
0x78: {  	_ =	shalt  }
0x79: {  	_ =	shalt  }
0x7a: {  	_ =	shalt  }
0x7b: {  	_ =	shalt  }
0x7c: {  	_ =	shalt  }
0x7d: {  	_ =	shalt  }
0x7e: {  	_ =	shalt  }
0x7f: {  	_ =	shalt  }
0x80: {  	_ =	shalt  }
0x81: {  	_ =	shalt  }
0x82: {  	_ =	shalt  }
0x83: {  	_ =	shalt  }
0x84: {  	_ =	shalt  }
0x85: {  	_ =	shalt  }
0x86: {  	_ =	shalt  }
0x87: {  	_ =	shalt  }
.Lfunc_end0:
.L_simem_size_0:
called_computation_lowered:
.L_overlay_start_0:
0x88: {  	s2 =	sld [smem:$0x3FD9]  }
0x89: {  	s3 =	sld [smem:$0x3FFE];
	_ =	sdelay $0x1  }
0x8a: {  	s1 =	srdreg.scid  }
0x8b: {  	s0 =	sand.u32 $0x1, s1  }
0x8c: {  	s17 =	sshll.u32 s0, $0xA;
	s2 =	sadd.s32 s3, s2  }
0x8d: {  	s2 =	sadd.s32 s2, s17  }
0x8e: {  	[smem:$0x3FC4] =	sst s2  }
0x8f: {  	_ = 	snop  }
0x90: {  	s2 =	sld [smem:$0x3FC9]  }
0x91: {  	s18 =	sld [smem:$0x3FD0];
	(tm) =	ssettm $0x1  }
0x92: {  	s4 =	sld [smem:$0x3FFB];
	_ =	sdelay $0x3  }
0x93: {  	_ =	strace s4  }
0x94: {  	s4 =	sld [smem:$0x3FFC];
	_ =	sdelay $0x3  }
0x95: {  	_ =	strace s4  }
0x96: {  	s4 =	sld [smem:$0x3FFD];
	_ =	sdelay $0x3  }
0x97: {  	_ =	strace s4  }
0x98: {  	_ =	strace $0x8FFFFFFF  }
0x99: {  	s19 =	sld [smem:$0x3FDB];
	_ =	sdelay $0x1  }
0x9a: {  	s5 =	simm.s32 $_scs_section_size  }
0x9b: {  	s6 =	simm.s32 $_size__tile_overlayer_lowered;
	s7 =	simm.s32 $_tile_overlayer_lowered  }
0x9c: {  	s22 =	simm.s32 $0x1BFF;
	s21 =	sshll.u32 s7, $0x1;
	s4 =	sadd.s32 s5, s19  }
0x9d: {  	s8 =	simm.s32 $0x0;
	s20 =	sshll.u32 s6, $0x1;
	s6 =	sadd.s32 s21, s4  }
0x9e: {  	[timem:s8], [sflag:s22] =	dma.local [hbm:s6], s20  }
0x9f: {  	_ =	swait.ge [sflag:s22], s20  }
0xa0: {  	s5 =	ssub.s32 $0x0, s20;
	[sflag:s22] =	ssyncset.done $0x0  }
0xa1: {  	[sflag:s22] =	ssyncadd.s32 s5;
	_ =	sdelay $0x1  }
0xa2: {  	s23 =	simm.s32 $0x1B8B  }
0xa3: {  	_ =	swait.ge [sflag:s23], $0x1  }
0xa4: {  	[sflag:s23] =	ssyncset.done $0x0  }
0xa5: {  	s25 =	simm.s32 $0x1B8E;
	s24 =	sld [smem:$0x3FFE];
	[sflag:s23] =	ssyncadd.s32 $0xFFFFFFFF  }
0xa6: {  	s26 =	simm.s32 $execute0_lowered;
	[smem:$0x3FD2] =	sst s25  }
0xa7: {  	s6 =	sshll.u32 s26, $0x1;
	_ =	strace $0x80000046;
	[dreg:$0x1] =	wrdreg $0xFFFFFFFF  }
0xa8: {  	s28 =	simm.s32 $_size_execute0_lowered;
	s4 =	sadd.s32 s4, s6;
	[dreg:$0x0] =	wrdreg $0x0  }
0xa9: {  	s6 =	sshll.u32 s28, $0x1;
	[dreg:$0x2] =	wrdreg s4  }
0xaa: {  	[dreg:$0x3] =	wrdreg s6  }
0xab: {  	[dreg:$0x4] =	wrdreg $0xC0  }
0xac: {  	_ =	task [dreg:s8], $0x5FFFF  }
0xad: {  	[dreg:$0x1] =	wrdreg $0xFFFFFFFF  }
0xae: {  	[dreg:$0x0] =	wrdreg $0x60  }
0xaf: {  	[dreg:$0x2] =	wrdreg s18  }
0xb0: {  	[dreg:$0x3] =	wrdreg s2  }
0xb1: {  	[dreg:$0x4] =	wrdreg s24  }
0xb2: {  	[dreg:$0x5] =	wrdreg $0x8F000  }
0xb3: {  	[dreg:$0x6] =	wrdreg $0x1CF000  }
0xb4: {  	[dreg:$0x7] =	wrdreg $0x9  }
0xb5: {  	_ =	task.clear_ibuf [dreg:s8], $0x8FFFF;
	_ =	strace $0x90000046  }
0xb6: {  	s29 =	simm.s32 $0x9;
	_ =	strace $0x80000048  }
0xb7: {  	_ =	swait.ge [sflag:s29], $0x1  }
0xb8: {  	[sflag:s29] =	ssyncadd.s32 $0xFFFFFFFF  }
0xb9: {  	_ =	strace $0x90000048  }
0xba: {  	_ =	sfence  }
0xbb: {  	s30 =	sld [smem:$0x0];
	_ =	sdelay $0x2  }
0xbc: {  	s31 =	sshll.u32 s1, $0xD;
	s1 =	sshrl.u32 s1, $0x2  }
0xbd: {  	s3 =	sand.u32 $0x4000, s31;
	s1 =	sadd.s32 s1, s30  }
0xbe: {  	s0 =	sor.u32 s3, s0;
	s1 =	sshll.u32 s1, $0x11  }
0xbf: {  	s0 =	sor.u32 s1, s0  }
0xc0: {  	s0 =	sadd.s32 $0x8F2B, s0  }
0xc1: {  	[sflag:s0] =	ssyncadd.remote.s32 $0x1  }
0xc2: {  	_ =	sfence.sel $0xFFFF  }
0xc3: {  	[dreg:$0x0] =	wrdreg $0xFFFFFFFF;
	(pc) =	sbr.abs _section_cstart, $3  }
0xc4: {  	[dreg:$0x1] =	wrdreg $0xFFFFFFFF  }
0xc5: {  	_ =	task.clear_ibuf [dreg:s8], $0x2FFFF;
	_ =	strace $0x9FFFFFFF  }
0xc6: {  	(tm) =	ssettm $0x7FFFFFFF  }
0xc7: {  	_ =	shalt  }
tec
execute0_lowered:
.L_overlay_start_1:
0x0: {  	(tag) =	ssettag $0x1  }
0x1: {  	s0 =	rddreg [dreg:$0x0]  }
0x2: {  	s2 =	rddreg [dreg:$0x1]  }
0x3: {  	s1 =	srdreg.scid;
	s3 =	rddreg [dreg:$0x2]  }
0x4: {  	s19 =	stileid.u32;
	s4 =	rddreg [dreg:$0x3]  }
0x5: {  	s5 =	rddreg [dreg:$0x4];
	s6 =	simm.s32 $0x0;
	s9 =	smul.u32 $0x14000, s19  }
0x6: {  	s16 =	simm.s32 $0x5;
	s18 =	simm.s32 $0x50;
	s10 =	smul.u32 $0x500, s19  }
0x7: {  	s28 =	simm.s32 $0x2;
	s29 =	simm.s32 $0x4;
	s24 =	smul.u32 $0x50000, s19  }
0x8: {  	s31 =	simm.s32 $0x10;
	s7 =	sand.u32 $0x1, s1;
	s14 =	smul.u32 $0xA00, s19  }
0x9: {  	[smem:$0x7FF] =	sst s6;
	s22 =	sshll.u32 s19, $0xF;
	s8 =	smul.u32 $0x140000, s7  }
0xa: {  	s11 =	sshll.u32 s7, $0x7;
	_ =	strace $0x80000047;
	s21 =	ssub.s32 $0x2, s7  }
0xb: {  	s7 =	sshll.u32 s7, $0xE;
	s20 =	sor.u32 s11, s10;
	s23 =	sshrl.u32 s21, $0x1  }
0xc: {  	s12 =	sor.u32 s7, s22;
	s7 =	sadd.s32 $0x10000, s0;
	s26 =	sshrl.u32 s24, $0x2  }
0xd: {  	s30 =	sshrl.u32 s14, $0x2;
	s22 =	simm.s32 $0x8800;
	s24 =	simm.s32 $0x3  }
0xe: {  	s8 =	sadd.s32 s9, s8;
	s9 =	sshrl.u32 s20, $0x3;
	s25 =	sshrl.u32 s12, $0x3  }
0xf: {  	s15 =	ssub.s32 s21, s23;
	s10 =	sadd.s32 s26, s4;
	s11 =	sadd.s32 s30, s5  }
0x10: {  	s12 =	sor.u32 $0x400, s12;
	s26 =	simm.s32 $0x8E80;
	s8 =	sshrl.u32 s8, $0x3  }
0x11: {  	s15 =	smax.u32 s15, $0x1;
	s13 =	sadd.s32 s8, s3;
	s3 =	sadd.s32 s9, s3  }
0x12: {  	s8 =	sadd.s32 s25, s7;
	s9 =	sadd.s32 s0, s25;
	s25 =	simm.s32 $0x1  }
0x13: {  	v0 =	vimm.f32 $1.000000000e+00;
	v1 =	vimm.f32 $0.0e+00;
	s13 =	sadd.s32 $0x1800, s13;
	s14 =	sadd.s32 $0xE00, s3;
	s3 =	simm.s32 $0x0  }
.LBB2_1:
0x14: {  	[tilespmem:s6], [sflag:$0x5] =	stream.linear.gather [hbm4b:s8+s6], $0x400, $0x38;
	[tilespmem:$0x1D180] =	vst v63  }
0x15: {  	_ =	swait.ge [sflag:s16], $0x400  }
0x16: {  	[sflag:s16] =	ssyncset.done $0x0  }
0x17: {  	s1 =	simm.s32 $0x800;
	[sflag:s16] =	ssyncadd.s32 $0xFFFFFC00  }
0x18: {  	[tilespmem:s1], [sflag:$0x5] =	stream.linear.gather [hbm4b:s9+s6], $0x400, $0x38;
	[tilespmem:$0x1D180] =	vst v63  }
0x19: {  	_ =	swait.ge [sflag:s16], $0x400  }
0x1a: {  	[sflag:s16] =	ssyncset.done $0x0  }
0x1b: {  	s21 =	simm.s32 $0x1000;
	[sflag:s16] =	ssyncadd.s32 $0xFFFFFC00  }
0x1c: {  	[tilespmem:s21], [sflag:$0x1] =	stream.indirect.gather [hbm4b:s2+s18], $0x80, s6, s18, $0xb8;
	[tilespmem:$0x1D180] =	vst v63  }
0x1d: {  	s23 =	simm.s32 $0x80;
	s17 =	simm.s32 $0x3800  }
0x1e: {  	[tilespmem:s17], [sflag:$0x1] =	stream.indirect.gather [hbm4b:s2+s18], $0x80, s23, s18, $0xb8;
	[tilespmem:$0x1D180] =	vst v63  }
0x1f: {  	[tilespmem:$0x8E80] =	vst v0  }
0x20: {  	[tilespmem:$0x8E90] =	vst v0  }
0x21: {  	s30 =	sand.u32 $0xE00, s6;
	[tilespmem:$0x8EA0] =	vst v0  }
0x22: {  	s19 =	sand.u32 $0x70, s6;
	s20 =	sshrl.u32 s30, $0x2;
	[tilespmem:$0x8EB0] =	vst v0  }
0x23: {  	s20 =	sor.u32 s19, s20;
	s19 =	simm.s32 $0x0;
	s17 =	simm.s32 $0x40;
	[tilespmem:$0x8EC0] =	vst v0  }
.LBB2_2:
0x24: {  	p0 =	sne.s32 s17, $0xFC0  }
0x25: {  	[tilespmem:s20+$0x8800] =	vst v1;
	s19 =	sadd.s32 $0x10, s19;
	s20 =	smov.u32 s17;
	s17 =	sadd.s32 $0x40, s17  }
.Ltmp0:
0x26: {  	(pc) =	sbr.rel @p0 .LBB2_2-.Ltmp0, $4  }
0x27: {  	_ = 	snop  }
0x28: {  	s20 =	sand.u32 $0xE00, s20  }
0x29: {  	s21 =	sand.u32 $0x70, s19;
	s20 =	sshrl.u32 s20, $0x2  }
0x2a: {  	s20 =	sor.u32 s21, s20  }
0x2b: {  	[tilespmem:s20+$0x8800] =	vst v1  }
0x2c: {  	[tilespmem:$0x8C00] =	vst v1  }
0x2d: {  	[tilespmem:$0x8C10] =	vst v1  }
0x2e: {  	[tilespmem:$0x8C20] =	vst v1  }
0x2f: {  	[tilespmem:$0x8C30] =	vst v1  }
0x30: {  	[tilespmem:$0x8C40] =	vst v1  }
0x31: {  	[tilespmem:$0x8C50] =	vst v1  }
0x32: {  	[tilespmem:$0x8C60] =	vst v1  }
0x33: {  	[tilespmem:$0x8C70] =	vst v1  }
0x34: {  	[tilespmem:$0x8C80] =	vst v1  }
0x35: {  	[tilespmem:$0x8C90] =	vst v1  }
0x36: {  	[tilespmem:$0x8CA0] =	vst v1  }
0x37: {  	[tilespmem:$0x8CB0] =	vst v1  }
0x38: {  	[tilespmem:$0x8CC0] =	vst v1  }
0x39: {  	[tilespmem:$0x8CD0] =	vst v1  }
0x3a: {  	[tilespmem:$0x8CE0] =	vst v1  }
0x3b: {  	[tilespmem:$0x8CF0] =	vst v1  }
0x3c: {  	[tilespmem:$0x8D00] =	vst v1  }
0x3d: {  	[tilespmem:$0x8D10] =	vst v1  }
0x3e: {  	[tilespmem:$0x8D20] =	vst v1  }
0x3f: {  	[tilespmem:$0x8D30] =	vst v1  }
0x40: {  	[tilespmem:$0x8D40] =	vst v1  }
0x41: {  	[tilespmem:$0x8D50] =	vst v1  }
0x42: {  	[tilespmem:$0x8D60] =	vst v1  }
0x43: {  	[tilespmem:$0x8D70] =	vst v1  }
0x44: {  	[tilespmem:$0x8D80] =	vst v1  }
0x45: {  	[tilespmem:$0x8D90] =	vst v1  }
0x46: {  	[tilespmem:$0x8DA0] =	vst v1  }
0x47: {  	[tilespmem:$0x8DB0] =	vst v1  }
0x48: {  	[tilespmem:$0x8DC0] =	vst v1  }
0x49: {  	[tilespmem:$0x8DD0] =	vst v1  }
0x4a: {  	[tilespmem:$0x8DE0] =	vst v1  }
0x4b: {  	[tilespmem:$0x8DF0] =	vst v1  }
0x4c: {  	[tilespmem:$0x8E00] =	vst v1  }
0x4d: {  	[tilespmem:$0x8E10] =	vst v1  }
0x4e: {  	[tilespmem:$0x8E20] =	vst v1  }
0x4f: {  	[tilespmem:$0x8E30] =	vst v1  }
0x50: {  	[tilespmem:$0x8E40] =	vst v1  }
0x51: {  	[tilespmem:$0x8E50] =	vst v1  }
0x52: {  	[tilespmem:$0x8E60] =	vst v1  }
0x53: {  	s17 =	simm.s32 $0x1000;
	s19 =	sadd.s32 $0x0, s10;
	[tilespmem:$0x8E70] =	vst v1  }
.LBB2_4:
0x54: {  	[spmem:s19] =	stream.linear.scatter [tilespmem:s22], [sflag:$0x3], $0x400, $0x38;
	[tilespmem:$0x1D180] =	vst v63  }
0x55: {  	s19 =	smov.u32 s17;
	p0 =	sne.s32 s17, $0x4F000  }
.Ltmp1:
0x56: {  	s17 =	sadd.s32 $0x1000, s17;
	(pc) =	sbr.rel @p0 .LBB2_4-.Ltmp1, $3  }
0x57: {  	_ =	sdelay $0x1  }
0x58: {  	s19 =	sshra.s32 s19, $0x2  }
0x59: {  	s19 =	sadd.s32 s19, s10  }
0x5a: {  	[spmem:s19] =	stream.linear.scatter [tilespmem:s22], [sflag:$0x3], $0x400, $0x38;
	[tilespmem:$0x1D180] =	vst v63  }
0x5b: {  	s1 =	simm.s32 $0x8C00  }
0x5c: {  	[spmem:s11] =	stream.linear.scatter [tilespmem:s1], [sflag:$0x5], $0x280, $0x38;
	[tilespmem:$0x1D180] =	vst v63  }
0x5d: {  	_ =	swait.ge [sflag:s16], $0x280  }
0x5e: {  	[sflag:s16] =	ssyncset.done $0x0  }
0x5f: {  	[sflag:s16] =	ssyncadd.s32 $0xFFFFFD80  }
0x60: {  	_ =	swait.ge [sflag:s24], $0x400  }
0x61: {  	s17 =	simm.s32 $0x4F;
	[sflag:s24] =	ssyncset.done $0x0  }
.LBB2_6:
0x62: {  	p0 =	sne.s32 s17, $0x1;
	s17 =	sadd.s32 $0xFFFFFFFF, s17;
	[sflag:s24] =	ssyncadd.s32 $0xFFFFFC00  }
.Ltmp2:
0x63: {  	(pc) =	sbr.rel @p0 .LBB2_6-.Ltmp2, $3  }
0x64: {  	_ =	sdelay $0x1  }
0x65: {  	_ =	swait.ge [sflag:s24], $0x400  }
0x66: {  	[sflag:s24] =	ssyncset.done $0x0  }
.Ltmp3:
0x67: {  	(pc) =	sbr.rel .LBB2_8-.Ltmp3, $4  }
0x68: {  	_ = 	snop  }
0x69: {  	[sflag:s24] =	ssyncadd.s32 $0xFFFFFC00  }
0x6a: {  	[bflag:$0x0] =	sbarrier.arrive $0xFFFF  }
0x6b: {  	s17 =	simm.s32 $0x0;
	s19 =	simm.s32 $0x400  }
.LBB2_9:
0x6c: {  	s1 =	sshll.u32 s20, $0xA  }
0x6d: {  	s1 =	sadd.s32 s1, s12  }
0x6e: {  	s1 =	sshrl.u32 s1, $0x3  }
0x6f: {  	s30 =	sxor.u32 $0x400, s21;
	s23 =	sadd.s32 s7, s1  }
0x70: {  	[tilespmem:s30], [sflag:$0x3] =	stream.linear.gather [hbm4b:s23+s6], $0x400, $0x38;
	[tilespmem:$0x1D180] =	vst v63  }
0x71: {  	s1 =	sadd.s32 s0, s1;
	s30 =	sxor.u32 $0xC00, s21  }
0x72: {  	[tilespmem:s30], [sflag:$0x3] =	stream.linear.gather [hbm4b:s1+s6], $0x400, $0x38;
	[tilespmem:$0x1D180] =	vst v63  }
.LBB2_11:
0x73: {  	s1 =	sadd.s32 $0x2, s17  }
0x74: {  	s20 =	smul.u32 $0xAB, s1;
	_ =	sdelay $0x1  }
0x75: {  	s20 =	sshrl.u32 s20, $0x9  }
0x76: {  	s21 =	sand.u32 $0x7, s1;
	s20 =	sand.u32 $0x7F, s20  }
0x77: {  	p0 =	sne.s32 s21, $0x0;
	s20 =	smul.u32 $0x3, s20  }
0x78: {  	s23 =	simm.s32 @!p0 $0x3  }
0x79: {  	_ =	swait.ge @!p0 [sflag:s23], $0x400;
	s1 =	ssub.s32 s1, s20  }
0x7a: {  	[sflag:s23] =	ssyncset.done @!p0 $0x0;
	s1 =	sand.u32 $0xFF, s1  }
0x7b: {  	[sflag:s23] =	ssyncadd.s32 @!p0 $0xFFFFFC00;
	s1 =	smul.u32 $0xA000, s1  }
0x7c: {  	s30 =	sand.u32 $0x1000, s19;
	s21 =	sshll.u32 s21, $0x7;
	_ =	swait.ge @!p0 [sflag:s23], $0x400  }
0x7d: {  	s20 =	sshrl.u32 s30, $0x2;
	[sflag:s23] =	ssyncset.done @!p0 $0x0;
	s1 =	sshrl.u32 s1, $0x2  }
0x7e: {  	s20 =	sor.u32 s21, s20;
	[sflag:s23] =	ssyncadd.s32 @!p0 $0xFFFFFC00;
	s1 =	sadd.s32 $0x1000, s1  }
0x7f: {  	[tilespmem:s1], [sflag:$0x1] =	stream.indirect.gather [hbm4b:s2+s18], $0x80, s20, s18, $0xb8;
	[tilespmem:$0x1D180] =	vst v63  }
.LBB2_12:
0x80: {  	s17 =	sadd.s32 $0x1, s17  }
0x81: {  	p0 =	sne.s32 s17, $0x7D  }
.Ltmp4:
0x82: {  	_ = 	snop;
	(pc) =	sbr.rel @!p0 .LBB2_13-.Ltmp4, $2  }
0x83: {  	_ =	sdelay $0x2  }
0x84: {  	s19 =	sadd.s32 $0x200, s19  }
.LBB2_8:
0x85: {  	s20 =	smul.u32 $0xAB, s17;
	_ =	sdelay $0x1  }
0x86: {  	s20 =	sshrl.u32 s20, $0x9  }
0x87: {  	s20 =	sand.u32 $0x7F, s20  }
0x88: {  	s20 =	smul.u32 $0x3, s20  }
0x89: {  	s23 =	sand.u32 $0x7, s17;
	_ =	swait.ge [sflag:s25], $0x2800  }
0x8a: {  	p0 =	seq.s32 s17, $0x0;
	[sflag:s25] =	ssyncset.done $0x0;
	s21 =	ssub.s32 s17, s20  }
0x8b: {  	p1 =	sgt.u32 @!p0 s17, $0x77;
	s20 =	sshrl.u32 s17, $0x3;
	s21 =	sand.u32 $0xFF, s21  }
0x8c: {  	[sflag:s25] =	ssyncadd.s32 $0xFFFFD800;
	s1 =	sand.u32 $0x1, s20;
	s30 =	smul.u32 $0xA000, s21  }
0x8d: {  	p2 =	por p1, p0;
	s21 =	sshll.u32 s1, $0xA;
	s1 =	sshll.u32 s23, $0x7  }
0x8e: {  	p2 =	sne.s32 @!p2 s23, $0x0;
	s1 =	sor.u32 s1, s21;
	s30 =	sshrl.u32 s30, $0x2  }
0x8f: {  	p1 =	por @!p0 p1, p2;
	s1 =	sor.u32 $0x800, s1;
	s30 =	sadd.s32 $0x1000, s30  }
0x90: {  	[spmem:s4] =	stream.indirect.scatter.add.f32 [tilespmem:s30], [sflag:$0x2], $0x80, s1, s18, $0xb8;
	[tilespmem:$0x1D180] =	vst v63  }
0x91: {  	p1 =	por p0, !p1  }
0x92: {  	[spmem:s5] =	stream.indirect.scatter.add.f32 [tilespmem:s26], [sflag:$0x4], $0x1, s1, s18, $0xb8;
	[tilespmem:$0x1D180] =	vst v63  }
.Ltmp5:
0x93: {  	_ = 	snop;
	(pc) =	sbr.rel @p1 .LBB2_9-.Ltmp5, $4  }
0x94: {  	s1 =	simm.s32 @!p0 $0x2  }
0x95: {  	_ =	swait.ge @!p0 [sflag:s1], $0x2800  }
0x96: {  	[sflag:s1] =	ssyncset.done @!p0 $0x0  }
0x97: {  	[sflag:s1] =	ssyncadd.s32 @!p0 $0xFFFFD800  }
0x98: {  	p0 =	sgt.u32 s17, $0x7A  }
.Ltmp6:
0x99: {  	_ = 	snop;
	(pc) =	sbr.rel @p0 .LBB2_12-.Ltmp6, $4  }
.Ltmp7:
0x9a: {  	_ = 	snop;
	(pc) =	sbr.rel @!p0 .LBB2_11-.Ltmp7, $4  }
0x9b: {  	_ = 	snop  }
0x9c: {  	_ = 	snop  }
0x9d: {  	_ = 	snop  }
0x9e: {  	_ = 	snop  }
.LBB2_13:
0x9f: {  	_ =	swait.ge [sflag:s28], $0x2800  }
0xa0: {  	[sflag:s28] =	ssyncset.done $0x0  }
0xa1: {  	[sflag:s28] =	ssyncadd.s32 $0xFFFFD800  }
0xa2: {  	_ =	swait.ge [sflag:s29], $0x50  }
0xa3: {  	s17 =	simm.s32 $0x7C;
	[sflag:s29] =	ssyncset.done $0x0  }
.LBB2_14:
0xa4: {  	p0 =	sne.s32 s17, $0x1;
	s17 =	sadd.s32 $0xFFFFFFFF, s17;
	[sflag:s29] =	ssyncadd.s32 $0xFFFFFFB0  }
.Ltmp8:
0xa5: {  	(pc) =	sbr.rel @p0 .LBB2_14-.Ltmp8, $3  }
0xa6: {  	_ =	sdelay $0x1  }
0xa7: {  	_ =	swait.ge [sflag:s29], $0x50  }
0xa8: {  	[sflag:s29] =	ssyncset.done $0x0  }
0xa9: {  	[sflag:s29] =	ssyncadd.s32 $0xFFFFFFB0  }
0xaa: {  	s1 =	stileid.u32;
	s19 =	sshrl.u32 s10, $0x3;
	s23 =	sshrl.u32 s11, $0x3  }
0xab: {  	s30 =	simm.s32 $0x20;
	s3 =	sadd.s32 $0x1, s3;
	s1 =	sshll.u32 s1, $0x6  }
0xac: {  	[bflag:$0x0] =	sbarrier.arrive $0xFFFF;
	s17 =	sor.u32 $0x1C01, s1;
	s1 =	sor.u32 $0x1C05, s1  }
0xad: {  	[hbm:s13], [sflag:s17] =	dma.local [spmem:s19], $0x2800  }
0xae: {  	[hbm:s14@s30], [sflag:s1] =	dma.strided [spmem:s23@s31], $0x50, s25, $0x10   }
0xaf: {  	p0 =	sne.s32 s3, s15;
	_ =	swait.ge [sflag:s16], $0x50  }
.Ltmp9:
0xb0: {  	[sflag:s16] =	ssyncset.done $0x0;
	(pc) =	sbr.rel @p0 .LBB2_1-.Ltmp9, $4  }
0xb1: {  	[sflag:s16] =	ssyncadd.s32 $0xFFFFFFB0  }
0xb2: {  	_ =	swait.ge [sflag:s25], $0x2800  }
0xb3: {  	[sflag:s25] =	ssyncset.done $0x0  }
0xb4: {  	[sflag:s25] =	ssyncadd.s32 $0xFFFFD800  }
0xb5: {  	_ =	sfence.sel $0x180000  }
0xb6: {  	[bflag:$0x0] =	sbarrier.arrive $0xFFFF  }
0xb7: {  	_ =	strace $0x90000047  }
0xb8: {  	s0 =	stileid.u32;
	[bflag:$0x2] =	sbarrier.arrive $0xFFFF  }
0xb9: {  	p0 =	sne.s32 s0, $0x0;
	s0 =	rddreg [dreg:$0x5]  }
0xba: {  	s0 =	sadd.s32 @!p0 $0x100000, s0  }
0xbb: {  	[sflag:s0] =	ssyncadd.tile.s32 @!p0 $0x1;
	_ =	shalt  }
.Lfunc_end2:
_tile_overlayer_lowered:
.L_overlay_start_2:
0xbc: {  	(tag) =	ssettag $0x2  }
0xbd: {  	s0 =	rddreg [dreg:$0x0];
	s2 =	stileid.u32  }
0xbe: {  	s1 =	rddreg [dreg:$0x1];
	p0 =	sne.s32 s2, $0x0  }
0xbf: {  	s3 =	rddreg [dreg:$0x2];
	[bflag:$0x3] =	sbarrier.arrive $0xFFFF;
	s2 =	simm.s32 @!p0 $0x1C05  }
0xc0: {  	[timem:s3], [sflag:s2] =	dma.local @!p0 [hbm:s0], s1  }
0xc1: {  	s0 =	simm.s32 @!p0 $0x5  }
0xc2: {  	_ =	swait.ge @!p0 [sflag:s0], s1  }
0xc3: {  	s1 =	ssub.s32 @!p0 $0x0, s1;
	[sflag:s0] =	ssyncset.done @!p0 $0x0  }
0xc4: {  	[sflag:s0] =	ssyncadd.s32 @!p0 s1  }
0xc5: {  	[bflag:$0x3] =	sbarrier.arrive $0xFFFF  }
0xc6: {  	_ =	shalt  }

</sc_bundles>
